<compile_context>
chip_gen: v7x
topology: tpu7x:2x2x1
jax: 0.10.2.dev20260603
libtpu: 0.0.44.dev20260713+nightly
codegen_flags: <defaults>
</compile_context>

<pallas_src>
import functools

import jax
import jax.numpy as jnp
from jax import lax
from jax.experimental import pallas as pl
from jax.experimental.pallas import tpu as pltpu
from jax.experimental.pallas import tpu_sc as plsc

B = 16384
L = 200
E = 18
EP = 32
NC = 2
NS = 16
NW = NC * NS
BPW = B // NW
POS = BPW * L
NP = 2
NPP = BPW // NP
POSH = POS // NP
CH = 512
NCH = POSH // CH
NSL = 2

_mesh = plsc.VectorSubcoreMesh(
    core_axis_name="c", subcore_axis_name="s", num_cores=NC, num_subcores=NS)

_f32 = jnp.float32
_i32 = jnp.int32


@functools.partial(
    pl.kernel,
    out_type=[pltpu.HBM((B, EP), _f32)] * 5,
    mesh=_mesh,
    scratch_types=[
        [pltpu.VMEM((CH,), _i32)] * NSL,
        [pltpu.VMEM((CH,), _i32)] * NSL,
        [pltpu.VMEM((CH, EP), _f32)] * NSL,
        [pltpu.VMEM((CH, EP), _f32)] * NSL,
        [pltpu.VMEM((CH,), _i32)] * NSL,
        pltpu.VMEM((BPW,), _i32),
        pltpu.VMEM((BPW, EP), _f32),
        [pltpu.SemaphoreType.DMA] * NSL,
        [pltpu.SemaphoreType.DMA] * NSL,
        [pltpu.SemaphoreType.DMA] * NSL,
        pltpu.VMEM_SHARED((NS * NPP, EP), _f32),
        pltpu.VMEM_SHARED((NS * NPP, EP), _f32),
    ],
    compiler_params=pltpu.CompilerParams(use_tc_tiling_on_sc=False),
)
def _sc_embed(uid_i, mid_i, cat_i, mh_i, ch_i, lmap, zrows, uid_t, mid_t,
              cat_t, uid_o, mid_o, cat_o, mids_o, cats_o,
              idx_m, idx_c, row_m, row_c, b_idx, sidx, srow,
              si, sg, ss, acc_m, acc_c):
  c = lax.axis_index("c")
  s = lax.axis_index("s")
  wid = s * NC + c
  base = wid * BPW
  arow = s * NPP

  for idx1d, table, out in ((uid_i, uid_t, uid_o),
                            (mid_i, mid_t, mid_o),
                            (cat_i, cat_t, cat_o)):
    pltpu.sync_copy(idx1d.at[pl.ds(base, BPW)], sidx)
    pltpu.sync_copy(table.at[sidx], srow)
    pltpu.sync_copy(srow, out.at[pl.ds(base, BPW)])

  posbase = wid * POS

  def _stage_idx(ci, off, b):
    pltpu.async_copy(mh_i.at[pl.ds(off, CH)], idx_m[b], si[b])
    pltpu.async_copy(ch_i.at[pl.ds(off, CH)], idx_c[b], si[b])
    pltpu.async_copy(lmap.at[pl.ds(s * POSH + ci * CH, CH)], b_idx[b], si[b])

  def _wait_idx(b):
    for dst in (idx_m[b], idx_c[b], b_idx[b]):
      pltpu.make_async_copy(mh_i.at[pl.ds(0, CH)], dst, si[b]).wait()

  def _wait_scat(b):
    pltpu.make_async_copy(row_m[b], acc_m.at[b_idx[b]], ss[b]).wait()
    pltpu.make_async_copy(row_c[b], acc_c.at[b_idx[b]], ss[b]).wait()

  for p in range(NP):
    pltpu.sync_copy(zrows, acc_m.at[pl.ds(arow, NPP)])
    pltpu.sync_copy(zrows, acc_c.at[pl.ds(arow, NPP)])
    pbase = posbase + p * POSH
    _stage_idx(0, pbase, 0)

    def _ring(gi, carry):
      for b in range(NSL):
        ci = gi * NSL + b
        nb = 1 - b

        _wait_idx(b)
        gm = pltpu.async_copy(mid_t.at[idx_m[b]], row_m[b], sg[b])
        gc = pltpu.async_copy(cat_t.at[idx_c[b]], row_c[b], sg[b])

        if b == 0:
          @pl.when(gi >= 1)
          def _():
            _wait_scat(nb)
        else:
          _wait_scat(nb)

        if b == NSL - 1:
          @pl.when(gi < NCH // NSL - 1)
          def _():
            _stage_idx(ci + 1, pbase + (ci + 1) * CH, nb)
        else:
          _stage_idx(ci + 1, pbase + (ci + 1) * CH, nb)

        gm.wait()
        gc.wait()
        pltpu.async_copy(row_m[b], acc_m.at[b_idx[b]], ss[b], add=True)
        pltpu.async_copy(row_c[b], acc_c.at[b_idx[b]], ss[b], add=True)
      return carry
    lax.fori_loop(0, NCH // NSL, _ring, 0)
    _wait_scat(NSL - 1)

    pltpu.sync_copy(acc_m.at[pl.ds(arow, NPP)],
                    mids_o.at[pl.ds(base + p * NPP, NPP)])
    pltpu.sync_copy(acc_c.at[pl.ds(arow, NPP)],
                    cats_o.at[pl.ds(base + p * NPP, NPP)])


MB = 512


def _mlp_body(u, m, c, ms, cs, w1, b1, w2, b2, w3, b3, o):
  inp = jnp.concatenate([u[...], m[...], c[...], ms[...], cs[...]], axis=1)
  h = jnp.dot(inp, w1[...], preferred_element_type=_f32) + b1[...]
  h = jnp.maximum(h, 0.0)
  h = jnp.dot(h, w2[...], preferred_element_type=_f32) + b2[...]
  h = jnp.maximum(h, 0.0)
  o[...] = jnp.dot(h, w3[...], preferred_element_type=_f32) + b3[...]


def _mlp(u, m, c, ms, cs, w1p, b1, w2, b2, w3, b3):
  piece = pl.BlockSpec((MB, EP), lambda i: (i, 0))
  full = lambda a: pl.BlockSpec(a.shape, lambda i: (0,) * a.ndim)
  return pl.pallas_call(
      _mlp_body,
      grid=(B // MB,),
      in_specs=[piece] * 5 + [full(w1p), full(b1), full(w2), full(b2),
                              full(w3), full(b3)],
      out_specs=pl.BlockSpec((MB, 1), lambda i: (i, 0)),
      out_shape=jax.ShapeDtypeStruct((B, 1), _f32),
  )(u, m, c, ms, cs, w1p, b1, w2, b2, w3, b3)


def kernel(uid_batch_ph, mid_batch_ph, mid_his_batch_ph, cat_batch_ph,
           cat_his_batch_ph, mask, seq_len_ph, target_ph, lr,
           uid_table, mid_table, cat_table, W1, b1, W2, b2, W3, b3):
  uid_i = uid_batch_ph.astype(_i32)
  mid_i = mid_batch_ph.astype(_i32)
  cat_i = cat_batch_ph.astype(_i32)
  mh_i = mid_his_batch_ph.astype(_i32).reshape(B * L)
  ch_i = cat_his_batch_ph.astype(_i32).reshape(B * L)
  lmap = (jnp.arange(POSH, dtype=_i32) // L)[None, :] \
      + (jnp.arange(NS, dtype=_i32) * NPP)[:, None]
  lmap = lmap.reshape(NS * POSH)
  zrows = jnp.zeros((NPP, EP), _f32)

  pad = ((0, 0), (0, EP - E))
  uid_e, mid_e, cat_e, mids, cats = _sc_embed(
      uid_i, mid_i, cat_i, mh_i, ch_i, lmap, zrows,
      jnp.pad(uid_table.astype(_f32), pad),
      jnp.pad(mid_table.astype(_f32), pad),
      jnp.pad(cat_table.astype(_f32), pad))

  w1p = jnp.zeros((5 * EP, 200), _f32)
  for k in range(5):
    w1p = w1p.at[k * EP:k * EP + E].set(W1[k * E:(k + 1) * E])

  return _mlp(uid_e, mid_e, cat_e, mids, cats,
              w1p, b1.reshape(1, 200), W2, b2.reshape(1, 80),
              W3, b3.reshape(1, 1))

# --- scband reference (transcript-rebuilt; emitter-appended) ---
"""Pipeline reference for scband-model-dnn-61761629716922 (READ-ONLY COPY).

The authoritative reference and input builder live on the scoring server;
editing this copy changes nothing except your own understanding.
"""

import jax, jax.numpy as jnp
import numpy as np

B, L, E = 16384, 200, 18
N_UID, N_MID, N_CAT = 1000000, 1000000, 1000


def setup_inputs(seed: int = 0) -> dict:
    key = jax.random.key(seed)
    ks = jax.random.split(key, 16)
    inp = {}
    inp["uid_batch_ph"] = jax.random.randint(ks[0], (B,), 0, N_UID)
    inp["mid_batch_ph"] = jax.random.randint(ks[1], (B,), 0, N_MID)
    inp["mid_his_batch_ph"] = jax.random.randint(ks[2], (B, L), 0, N_MID)
    inp["cat_batch_ph"] = jax.random.randint(ks[3], (B,), 0, N_CAT)
    inp["cat_his_batch_ph"] = jax.random.randint(ks[4], (B, L), 0, N_CAT)
    inp["mask"] = jnp.ones((B, L), dtype=jnp.float32)
    inp["seq_len_ph"] = jnp.full((B,), L, dtype=jnp.int32)
    inp["target_ph"] = jax.random.normal(ks[5], (B, 1), dtype=jnp.float32)
    inp["lr"] = 1
    # learned parameters
    inp["uid_table"] = jax.random.normal(ks[6], (N_UID, E), dtype=jnp.float32) * 0.05
    inp["mid_table"] = jax.random.normal(ks[7], (N_MID, E), dtype=jnp.float32) * 0.05
    inp["cat_table"] = jax.random.normal(ks[8], (N_CAT, E), dtype=jnp.float32) * 0.05
    inp["W1"] = jax.random.normal(ks[9], (90, 200), dtype=jnp.float32) * 0.05
    inp["b1"] = jnp.zeros((200,), dtype=jnp.float32)
    inp["W2"] = jax.random.normal(ks[10], (200, 80), dtype=jnp.float32) * 0.05
    inp["b2"] = jnp.zeros((80,), dtype=jnp.float32)
    inp["W3"] = jax.random.normal(ks[11], (80, 1), dtype=jnp.float32) * 0.05
    inp["b3"] = jnp.zeros((1,), dtype=jnp.float32)
    return inp


def reference(uid_batch_ph, mid_batch_ph, mid_his_batch_ph, cat_batch_ph, cat_his_batch_ph, mask, seq_len_ph, target_ph, lr, uid_table, mid_table, cat_table, W1, b1, W2, b2, W3, b3):
    uid_emb = jnp.take(uid_table, uid_batch_ph, axis=0)          # [B, E]
    mid_emb = jnp.take(mid_table, mid_batch_ph, axis=0)          # [B, E]
    mid_his_emb = jnp.take(mid_table, mid_his_batch_ph, axis=0)  # [B, L, E]
    cat_emb = jnp.take(cat_table, cat_batch_ph, axis=0)          # [B, E]
    cat_his_emb = jnp.take(cat_table, cat_his_batch_ph, axis=0)  # [B, L, E]
    item_eb = jnp.concatenate([mid_emb, cat_emb], axis=1)        # [B, 2E]
    item_his_eb = jnp.concatenate([mid_his_emb, cat_his_emb], axis=2)  # [B, L, 2E]
    item_his_eb_sum = jnp.sum(item_his_eb, axis=1)               # [B, 2E]
    inp = jnp.concatenate([uid_emb, item_eb, item_his_eb_sum], axis=1)  # [B, 90]
    h = jax.nn.relu(inp @ W1 + b1)
    h = jax.nn.relu(h @ W2 + b2)
    out = h @ W3 + b3
    return out

if __name__ == "__main__":
    import jax
    _d = setup_inputs()
    print(jax.jit(kernel)(*tuple(_d.values())))

</pallas_src>

<mosaic_0001>
#map = affine_map<(d0, d1) -> (0)>
#map1 = affine_map<(d0, d1) -> (0, 0)>
module attributes {stable_mosaic.version = 14 : i64} {
  func.func @_sc_embed(%arg0: i32, %arg1: i32, %arg2: memref<16384xi32, #tpu.memory_space<hbm>>, %arg3: memref<16384xi32, #tpu.memory_space<hbm>>, %arg4: memref<16384xi32, #tpu.memory_space<hbm>>, %arg5: memref<3276800xi32, #tpu.memory_space<hbm>>, %arg6: memref<3276800xi32, #tpu.memory_space<hbm>>, %arg7: memref<819200xi32, #tpu.memory_space<hbm>>, %arg8: memref<256x32xf32, #tpu.memory_space<hbm>>, %arg9: memref<1000000x32xf32, #tpu.memory_space<hbm>>, %arg10: memref<1000000x32xf32, #tpu.memory_space<hbm>>, %arg11: memref<1000x32xf32, #tpu.memory_space<hbm>>, %arg12: memref<16384x32xf32, #tpu.memory_space<hbm>>, %arg13: memref<16384x32xf32, #tpu.memory_space<hbm>>, %arg14: memref<16384x32xf32, #tpu.memory_space<hbm>>, %arg15: memref<16384x32xf32, #tpu.memory_space<hbm>>, %arg16: memref<16384x32xf32, #tpu.memory_space<hbm>>, %arg17: memref<512xi32, #tpu.memory_space<vmem>>, %arg18: memref<512xi32, #tpu.memory_space<vmem>>, %arg19: memref<512xi32, #tpu.memory_space<vmem>>, %arg20: memref<512xi32, #tpu.memory_space<vmem>>, %arg21: memref<512x32xf32, #tpu.memory_space<vmem>>, %arg22: memref<512x32xf32, #tpu.memory_space<vmem>>, %arg23: memref<512x32xf32, #tpu.memory_space<vmem>>, %arg24: memref<512x32xf32, #tpu.memory_space<vmem>>, %arg25: memref<512xi32, #tpu.memory_space<vmem>>, %arg26: memref<512xi32, #tpu.memory_space<vmem>>, %arg27: memref<512xi32, #tpu.memory_space<vmem>>, %arg28: memref<512x32xf32, #tpu.memory_space<vmem>>, %arg29: memref<!tpu.dma_semaphore, #tpu.memory_space<semaphore_mem>>, %arg30: memref<!tpu.dma_semaphore, #tpu.memory_space<semaphore_mem>>, %arg31: memref<!tpu.dma_semaphore, #tpu.memory_space<semaphore_mem>>, %arg32: memref<!tpu.dma_semaphore, #tpu.memory_space<semaphore_mem>>, %arg33: memref<!tpu.dma_semaphore, #tpu.memory_space<semaphore_mem>>, %arg34: memref<!tpu.dma_semaphore, #tpu.memory_space<semaphore_mem>>, %arg35: memref<4096x32xf32, #tpu.memory_space<vmem_shared>>, %arg36: memref<4096x32xf32, #tpu.memory_space<vmem_shared>>) attributes {dimension_semantics = [#tpu.dimension_semantics<core_parallel>, #tpu.dimension_semantics<subcore_parallel>], iteration_bounds = array<i64: 2, 16>, scalar_prefetch = 0 : i64, scratch_operands = 20 : i64, tpu.core_type = #tpu.core_type<sc_vector_subcore>, window_params = [{transform_indices = #map}, {transform_indices = #map}, {transform_indices = #map}, {transform_indices = #map}, {transform_indices = #map}, {transform_indices = #map}, {transform_indices = #map1}, {transform_indices = #map1}, {transform_indices = #map1}, {transform_indices = #map1}, {transform_indices = #map1}, {transform_indices = #map1}, {transform_indices = #map1}, {transform_indices = #map1}, {transform_indices = #map1}]} {
    %mul3A = arith.constant 2 : i32
    %mul3A_0 = arith.muli %arg1, %mul3A : i32
    %add3A = arith.addi %mul3A_0, %arg0 : i32
    %mul3A_1 = arith.constant 512 : i32
    %mul3A_2 = arith.muli %add3A, %mul3A_1 : i32
    %mul3A_3 = arith.constant 256 : i32
    %mul3A_4 = arith.muli %arg1, %mul3A_3 : i32
    "tpu.region"() ({
      %run_scoped3A = tpu.sem_alloc : memref<!tpu.dma_semaphore, #tpu.memory_space<semaphore_mem>>
      %dma_start3A_60 = tpu.memref_slice %arg2[%mul3A_2] : memref<16384xi32, #tpu.memory_space<hbm>> -> memref<512xi32, #tpu.memory_space<hbm>>
      %dma_start3A_61 = tpu.memref_slice %arg2[%mul3A_2] : memref<16384xi32, #tpu.memory_space<hbm>> -> memref<512xi32, #tpu.memory_space<hbm>>
      tpu.enqueue_dma source(%dma_start3A_61 : memref<512xi32, #tpu.memory_space<hbm>>) target(%arg27 : memref<512xi32, #tpu.memory_space<vmem>>) target_semaphore(%run_scoped3A : memref<!tpu.dma_semaphore, #tpu.memory_space<semaphore_mem>>)
      %dma_wait3A_62 = tpu.memref_slice %arg2[%mul3A_2] : memref<16384xi32, #tpu.memory_space<hbm>> -> memref<512xi32, #tpu.memory_space<hbm>>
      %dma_wait3A_63 = tpu.memref_slice %arg2[%mul3A_2] : memref<16384xi32, #tpu.memory_space<hbm>> -> memref<512xi32, #tpu.memory_space<hbm>>
      tpu.wait_dma2 semaphore(%run_scoped3A : memref<!tpu.dma_semaphore, #tpu.memory_space<semaphore_mem>>) src(%dma_wait3A_63 : memref<512xi32, #tpu.memory_space<hbm>>) dst(%arg27 : memref<512xi32, #tpu.memory_space<vmem>>)
      tpu.yield
    }) : () -> ()
    "tpu.region"() ({
      %run_scoped3A = tpu.sem_alloc : memref<!tpu.dma_semaphore, #tpu.memory_space<semaphore_mem>>
      %dma_start3A_60 = arith.constant 0 : i32
      %dma_start3A_61 = arith.constant 0 : i32
      %dma_start3A_62 = tpu.memref_slice %arg9[%dma_start3A_60, %dma_start3A_61] : memref<1000000x32xf32, #tpu.memory_space<hbm>> -> memref<1000000x32xf32, #tpu.memory_space<hbm>>
      tpu.enqueue_indirect_dma source(%dma_start3A_62 : memref<1000000x32xf32, #tpu.memory_space<hbm>>) target(%arg28 : memref<512x32xf32, #tpu.memory_space<vmem>>) offsets(%arg27 : memref<512xi32, #tpu.memory_space<vmem>>) semaphore(%run_scoped3A : memref<!tpu.dma_semaphore, #tpu.memory_space<semaphore_mem>>)
      %dma_wait3A_63 = arith.constant 0 : i32
      %dma_wait3A_64 = arith.constant 0 : i32
      %dma_wait3A_65 = tpu.memref_slice %arg9[%dma_wait3A_63, %dma_wait3A_64] : memref<1000000x32xf32, #tpu.memory_space<hbm>> -> memref<1000000x32xf32, #tpu.memory_space<hbm>>
      tpu.wait_indirect_dma semaphore(%run_scoped3A : memref<!tpu.dma_semaphore, #tpu.memory_space<semaphore_mem>>) src(%dma_wait3A_65 : memref<1000000x32xf32, #tpu.memory_space<hbm>>) dst(%arg28 : memref<512x32xf32, #tpu.memory_space<vmem>>)
      tpu.yield
    }) : () -> ()
    "tpu.region"() ({
      %run_scoped3A = tpu.sem_alloc : memref<!tpu.dma_semaphore, #tpu.memory_space<semaphore_mem>>
      %dma_start3A_60 = arith.constant 0 : i32
      %dma_start3A_61 = tpu.memref_slice %arg12[%mul3A_2, %dma_start3A_60] : memref<16384x32xf32, #tpu.memory_space<hbm>> -> memref<512x32xf32, #tpu.memory_space<hbm>>
      %dma_start3A_62 = arith.constant 0 : i32
      %dma_start3A_63 = tpu.memref_slice %arg12[%mul3A_2, %dma_start3A_62] : memref<16384x32xf32, #tpu.memory_space<hbm>> -> memref<512x32xf32, #tpu.memory_space<hbm>>
      tpu.enqueue_dma source(%arg28 : memref<512x32xf32, #tpu.memory_space<vmem>>) target(%dma_start3A_63 : memref<512x32xf32, #tpu.memory_space<hbm>>) target_semaphore(%run_scoped3A : memref<!tpu.dma_semaphore, #tpu.memory_space<semaphore_mem>>)
      %dma_wait3A_64 = arith.constant 0 : i32
      %dma_wait3A_65 = tpu.memref_slice %arg12[%mul3A_2, %dma_wait3A_64] : memref<16384x32xf32, #tpu.memory_space<hbm>> -> memref<512x32xf32, #tpu.memory_space<hbm>>
      %dma_wait3A_66 = arith.constant 0 : i32
      %dma_wait3A_67 = tpu.memref_slice %arg12[%mul3A_2, %dma_wait3A_66] : memref<16384x32xf32, #tpu.memory_space<hbm>> -> memref<512x32xf32, #tpu.memory_space<hbm>>
      tpu.wait_dma2 semaphore(%run_scoped3A : memref<!tpu.dma_semaphore, #tpu.memory_space<semaphore_mem>>) src(%arg28 : memref<512x32xf32, #tpu.memory_space<vmem>>) dst(%dma_wait3A_67 : memref<512x32xf32, #tpu.memory_space<hbm>>)
      tpu.yield
    }) : () -> ()
    "tpu.region"() ({
      %run_scoped3A = tpu.sem_alloc : memref<!tpu.dma_semaphore, #tpu.memory_space<semaphore_mem>>
      %dma_start3A_60 = tpu.memref_slice %arg3[%mul3A_2] : memref<16384xi32, #tpu.memory_space<hbm>> -> memref<512xi32, #tpu.memory_space<hbm>>
      %dma_start3A_61 = tpu.memref_slice %arg3[%mul3A_2] : memref<16384xi32, #tpu.memory_space<hbm>> -> memref<512xi32, #tpu.memory_space<hbm>>
      tpu.enqueue_dma source(%dma_start3A_61 : memref<512xi32, #tpu.memory_space<hbm>>) target(%arg27 : memref<512xi32, #tpu.memory_space<vmem>>) target_semaphore(%run_scoped3A : memref<!tpu.dma_semaphore, #tpu.memory_space<semaphore_mem>>)
      %dma_wait3A_62 = tpu.memref_slice %arg3[%mul3A_2] : memref<16384xi32, #tpu.memory_space<hbm>> -> memref<512xi32, #tpu.memory_space<hbm>>
      %dma_wait3A_63 = tpu.memref_slice %arg3[%mul3A_2] : memref<16384xi32, #tpu.memory_space<hbm>> -> memref<512xi32, #tpu.memory_space<hbm>>
      tpu.wait_dma2 semaphore(%run_scoped3A : memref<!tpu.dma_semaphore, #tpu.memory_space<semaphore_mem>>) src(%dma_wait3A_63 : memref<512xi32, #tpu.memory_space<hbm>>) dst(%arg27 : memref<512xi32, #tpu.memory_space<vmem>>)
      tpu.yield
    }) : () -> ()
    "tpu.region"() ({
      %run_scoped3A = tpu.sem_alloc : memref<!tpu.dma_semaphore, #tpu.memory_space<semaphore_mem>>
      %dma_start3A_60 = arith.constant 0 : i32
      %dma_start3A_61 = arith.constant 0 : i32
      %dma_start3A_62 = tpu.memref_slice %arg10[%dma_start3A_60, %dma_start3A_61] : memref<1000000x32xf32, #tpu.memory_space<hbm>> -> memref<1000000x32xf32, #tpu.memory_space<hbm>>
      tpu.enqueue_indirect_dma source(%dma_start3A_62 : memref<1000000x32xf32, #tpu.memory_space<hbm>>) target(%arg28 : memref<512x32xf32, #tpu.memory_space<vmem>>) offsets(%arg27 : memref<512xi32, #tpu.memory_space<vmem>>) semaphore(%run_scoped3A : memref<!tpu.dma_semaphore, #tpu.memory_space<semaphore_mem>>)
      %dma_wait3A_63 = arith.constant 0 : i32
      %dma_wait3A_64 = arith.constant 0 : i32
      %dma_wait3A_65 = tpu.memref_slice %arg10[%dma_wait3A_63, %dma_wait3A_64] : memref<1000000x32xf32, #tpu.memory_space<hbm>> -> memref<1000000x32xf32, #tpu.memory_space<hbm>>
      tpu.wait_indirect_dma semaphore(%run_scoped3A : memref<!tpu.dma_semaphore, #tpu.memory_space<semaphore_mem>>) src(%dma_wait3A_65 : memref<1000000x32xf32, #tpu.memory_space<hbm>>) dst(%arg28 : memref<512x32xf32, #tpu.memory_space<vmem>>)
      tpu.yield
    }) : () -> ()
    "tpu.region"() ({
      %run_scoped3A = tpu.sem_alloc : memref<!tpu.dma_semaphore, #tpu.memory_space<semaphore_mem>>
      %dma_start3A_60 = arith.constant 0 : i32
      %dma_start3A_61 = tpu.memref_slice %arg13[%mul3A_2, %dma_start3A_60] : memref<16384x32xf32, #tpu.memory_space<hbm>> -> memref<512x32xf32, #tpu.memory_space<hbm>>
      %dma_start3A_62 = arith.constant 0 : i32
      %dma_start3A_63 = tpu.memref_slice %arg13[%mul3A_2, %dma_start3A_62] : memref<16384x32xf32, #tpu.memory_space<hbm>> -> memref<512x32xf32, #tpu.memory_space<hbm>>
      tpu.enqueue_dma source(%arg28 : memref<512x32xf32, #tpu.memory_space<vmem>>) target(%dma_start3A_63 : memref<512x32xf32, #tpu.memory_space<hbm>>) target_semaphore(%run_scoped3A : memref<!tpu.dma_semaphore, #tpu.memory_space<semaphore_mem>>)
      %dma_wait3A_64 = arith.constant 0 : i32
      %dma_wait3A_65 = tpu.memref_slice %arg13[%mul3A_2, %dma_wait3A_64] : memref<16384x32xf32, #tpu.memory_space<hbm>> -> memref<512x32xf32, #tpu.memory_space<hbm>>
      %dma_wait3A_66 = arith.constant 0 : i32
      %dma_wait3A_67 = tpu.memref_slice %arg13[%mul3A_2, %dma_wait3A_66] : memref<16384x32xf32, #tpu.memory_space<hbm>> -> memref<512x32xf32, #tpu.memory_space<hbm>>
      tpu.wait_dma2 semaphore(%run_scoped3A : memref<!tpu.dma_semaphore, #tpu.memory_space<semaphore_mem>>) src(%arg28 : memref<512x32xf32, #tpu.memory_space<vmem>>) dst(%dma_wait3A_67 : memref<512x32xf32, #tpu.memory_space<hbm>>)
      tpu.yield
    }) : () -> ()
    "tpu.region"() ({
      %run_scoped3A = tpu.sem_alloc : memref<!tpu.dma_semaphore, #tpu.memory_space<semaphore_mem>>
      %dma_start3A_60 = tpu.memref_slice %arg4[%mul3A_2] : memref<16384xi32, #tpu.memory_space<hbm>> -> memref<512xi32, #tpu.memory_space<hbm>>
      %dma_start3A_61 = tpu.memref_slice %arg4[%mul3A_2] : memref<16384xi32, #tpu.memory_space<hbm>> -> memref<512xi32, #tpu.memory_space<hbm>>
      tpu.enqueue_dma source(%dma_start3A_61 : memref<512xi32, #tpu.memory_space<hbm>>) target(%arg27 : memref<512xi32, #tpu.memory_space<vmem>>) target_semaphore(%run_scoped3A : memref<!tpu.dma_semaphore, #tpu.memory_space<semaphore_mem>>)
      %dma_wait3A_62 = tpu.memref_slice %arg4[%mul3A_2] : memref<16384xi32, #tpu.memory_space<hbm>> -> memref<512xi32, #tpu.memory_space<hbm>>
      %dma_wait3A_63 = tpu.memref_slice %arg4[%mul3A_2] : memref<16384xi32, #tpu.memory_space<hbm>> -> memref<512xi32, #tpu.memory_space<hbm>>
      tpu.wait_dma2 semaphore(%run_scoped3A : memref<!tpu.dma_semaphore, #tpu.memory_space<semaphore_mem>>) src(%dma_wait3A_63 : memref<512xi32, #tpu.memory_space<hbm>>) dst(%arg27 : memref<512xi32, #tpu.memory_space<vmem>>)
      tpu.yield
    }) : () -> ()
    "tpu.region"() ({
      %run_scoped3A = tpu.sem_alloc : memref<!tpu.dma_semaphore, #tpu.memory_space<semaphore_mem>>
      %dma_start3A_60 = arith.constant 0 : i32
      %dma_start3A_61 = arith.constant 0 : i32
      %dma_start3A_62 = tpu.memref_slice %arg11[%dma_start3A_60, %dma_start3A_61] : memref<1000x32xf32, #tpu.memory_space<hbm>> -> memref<1000x32xf32, #tpu.memory_space<hbm>>
      tpu.enqueue_indirect_dma source(%dma_start3A_62 : memref<1000x32xf32, #tpu.memory_space<hbm>>) target(%arg28 : memref<512x32xf32, #tpu.memory_space<vmem>>) offsets(%arg27 : memref<512xi32, #tpu.memory_space<vmem>>) semaphore(%run_scoped3A : memref<!tpu.dma_semaphore, #tpu.memory_space<semaphore_mem>>)
      %dma_wait3A_63 = arith.constant 0 : i32
      %dma_wait3A_64 = arith.constant 0 : i32
      %dma_wait3A_65 = tpu.memref_slice %arg11[%dma_wait3A_63, %dma_wait3A_64] : memref<1000x32xf32, #tpu.memory_space<hbm>> -> memref<1000x32xf32, #tpu.memory_space<hbm>>
      tpu.wait_indirect_dma semaphore(%run_scoped3A : memref<!tpu.dma_semaphore, #tpu.memory_space<semaphore_mem>>) src(%dma_wait3A_65 : memref<1000x32xf32, #tpu.memory_space<hbm>>) dst(%arg28 : memref<512x32xf32, #tpu.memory_space<vmem>>)
      tpu.yield
    }) : () -> ()
    "tpu.region"() ({
      %run_scoped3A = tpu.sem_alloc : memref<!tpu.dma_semaphore, #tpu.memory_space<semaphore_mem>>
      %dma_start3A_60 = arith.constant 0 : i32
      %dma_start3A_61 = tpu.memref_slice %arg14[%mul3A_2, %dma_start3A_60] : memref<16384x32xf32, #tpu.memory_space<hbm>> -> memref<512x32xf32, #tpu.memory_space<hbm>>
      %dma_start3A_62 = arith.constant 0 : i32
      %dma_start3A_63 = tpu.memref_slice %arg14[%mul3A_2, %dma_start3A_62] : memref<16384x32xf32, #tpu.memory_space<hbm>> -> memref<512x32xf32, #tpu.memory_space<hbm>>
      tpu.enqueue_dma source(%arg28 : memref<512x32xf32, #tpu.memory_space<vmem>>) target(%dma_start3A_63 : memref<512x32xf32, #tpu.memory_space<hbm>>) target_semaphore(%run_scoped3A : memref<!tpu.dma_semaphore, #tpu.memory_space<semaphore_mem>>)
      %dma_wait3A_64 = arith.constant 0 : i32
      %dma_wait3A_65 = tpu.memref_slice %arg14[%mul3A_2, %dma_wait3A_64] : memref<16384x32xf32, #tpu.memory_space<hbm>> -> memref<512x32xf32, #tpu.memory_space<hbm>>
      %dma_wait3A_66 = arith.constant 0 : i32
      %dma_wait3A_67 = tpu.memref_slice %arg14[%mul3A_2, %dma_wait3A_66] : memref<16384x32xf32, #tpu.memory_space<hbm>> -> memref<512x32xf32, #tpu.memory_space<hbm>>
      tpu.wait_dma2 semaphore(%run_scoped3A : memref<!tpu.dma_semaphore, #tpu.memory_space<semaphore_mem>>) src(%arg28 : memref<512x32xf32, #tpu.memory_space<vmem>>) dst(%dma_wait3A_67 : memref<512x32xf32, #tpu.memory_space<hbm>>)
      tpu.yield
    }) : () -> ()
    %mul3A_5 = arith.constant 102400 : i32
    %mul3A_6 = arith.muli %add3A, %mul3A_5 : i32
    "tpu.region"() ({
      %run_scoped3A = tpu.sem_alloc : memref<!tpu.dma_semaphore, #tpu.memory_space<semaphore_mem>>
      %dma_start3A_60 = arith.constant 0 : i32
      %dma_start3A_61 = tpu.memref_slice %arg35[%mul3A_4, %dma_start3A_60] : memref<4096x32xf32, #tpu.memory_space<vmem_shared>> -> memref<256x32xf32, #tpu.memory_space<vmem_shared>>
      tpu.enqueue_dma source(%arg8 : memref<256x32xf32, #tpu.memory_space<hbm>>) target(%dma_start3A_61 : memref<256x32xf32, #tpu.memory_space<vmem_shared>>) target_semaphore(%run_scoped3A : memref<!tpu.dma_semaphore, #tpu.memory_space<semaphore_mem>>)
      %dma_wait3A_62 = arith.constant 0 : i32
      %dma_wait3A_63 = tpu.memref_slice %arg35[%mul3A_4, %dma_wait3A_62] : memref<4096x32xf32, #tpu.memory_space<vmem_shared>> -> memref<256x32xf32, #tpu.memory_space<vmem_shared>>
      tpu.wait_dma2 semaphore(%run_scoped3A : memref<!tpu.dma_semaphore, #tpu.memory_space<semaphore_mem>>) src(%arg8 : memref<256x32xf32, #tpu.memory_space<hbm>>) dst(%dma_wait3A_63 : memref<256x32xf32, #tpu.memory_space<vmem_shared>>)
      tpu.yield
    }) : () -> ()
    "tpu.region"() ({
      %run_scoped3A = tpu.sem_alloc : memref<!tpu.dma_semaphore, #tpu.memory_space<semaphore_mem>>
      %dma_start3A_60 = arith.constant 0 : i32
      %dma_start3A_61 = tpu.memref_slice %arg36[%mul3A_4, %dma_start3A_60] : memref<4096x32xf32, #tpu.memory_space<vmem_shared>> -> memref<256x32xf32, #tpu.memory_space<vmem_shared>>
      tpu.enqueue_dma source(%arg8 : memref<256x32xf32, #tpu.memory_space<hbm>>) target(%dma_start3A_61 : memref<256x32xf32, #tpu.memory_space<vmem_shared>>) target_semaphore(%run_scoped3A : memref<!tpu.dma_semaphore, #tpu.memory_space<semaphore_mem>>)
      %dma_wait3A_62 = arith.constant 0 : i32
      %dma_wait3A_63 = tpu.memref_slice %arg36[%mul3A_4, %dma_wait3A_62] : memref<4096x32xf32, #tpu.memory_space<vmem_shared>> -> memref<256x32xf32, #tpu.memory_space<vmem_shared>>
      tpu.wait_dma2 semaphore(%run_scoped3A : memref<!tpu.dma_semaphore, #tpu.memory_space<semaphore_mem>>) src(%arg8 : memref<256x32xf32, #tpu.memory_space<hbm>>) dst(%dma_wait3A_63 : memref<256x32xf32, #tpu.memory_space<vmem_shared>>)
      tpu.yield
    }) : () -> ()
    %add3A_7 = arith.constant 0 : i32
    %add3A_8 = arith.addi %mul3A_6, %add3A_7 : i32
    %dma_start3A = tpu.memref_slice %arg5[%add3A_8] : memref<3276800xi32, #tpu.memory_space<hbm>> -> memref<512xi32, #tpu.memory_space<hbm>>
    %dma_start3A_9 = tpu.memref_slice %arg5[%add3A_8] : memref<3276800xi32, #tpu.memory_space<hbm>> -> memref<512xi32, #tpu.memory_space<hbm>>
    tpu.enqueue_dma source(%dma_start3A_9 : memref<512xi32, #tpu.memory_space<hbm>>) target(%arg17 : memref<512xi32, #tpu.memory_space<vmem>>) target_semaphore(%arg29 : memref<!tpu.dma_semaphore, #tpu.memory_space<semaphore_mem>>)
    %dma_start3A_10 = tpu.memref_slice %arg6[%add3A_8] : memref<3276800xi32, #tpu.memory_space<hbm>> -> memref<512xi32, #tpu.memory_space<hbm>>
    %dma_start3A_11 = tpu.memref_slice %arg6[%add3A_8] : memref<3276800xi32, #tpu.memory_space<hbm>> -> memref<512xi32, #tpu.memory_space<hbm>>
    tpu.enqueue_dma source(%dma_start3A_11 : memref<512xi32, #tpu.memory_space<hbm>>) target(%arg19 : memref<512xi32, #tpu.memory_space<vmem>>) target_semaphore(%arg29 : memref<!tpu.dma_semaphore, #tpu.memory_space<semaphore_mem>>)
    %mul3A_12 = arith.constant 51200 : i32
    %mul3A_13 = arith.muli %arg1, %mul3A_12 : i32
    %add3A_14 = arith.constant 0 : i32
    %add3A_15 = arith.addi %mul3A_13, %add3A_14 : i32
    %dma_start3A_16 = tpu.memref_slice %arg7[%add3A_15] : memref<819200xi32, #tpu.memory_space<hbm>> -> memref<512xi32, #tpu.memory_space<hbm>>
    %dma_start3A_17 = tpu.memref_slice %arg7[%add3A_15] : memref<819200xi32, #tpu.memory_space<hbm>> -> memref<512xi32, #tpu.memory_space<hbm>>
    tpu.enqueue_dma source(%dma_start3A_17 : memref<512xi32, #tpu.memory_space<hbm>>) target(%arg25 : memref<512xi32, #tpu.memory_space<vmem>>) target_semaphore(%arg29 : memref<!tpu.dma_semaphore, #tpu.memory_space<semaphore_mem>>)
    %scan3A = arith.constant 0 : i32
    %scan3A_18 = arith.constant 0 : i32
    %scan3A_19 = arith.constant 50 : i32
    %scan3A_20 = arith.addi %scan3A_18, %scan3A_19 : i32
    %scan3A_21 = arith.constant 1 : i32
    scf.for %scan3A_60 = %scan3A_18 to %scan3A_20 step %scan3A_21  : i32 {
      %mul3A_61 = arith.constant 2 : i32
      %mul3A_62 = arith.muli %scan3A_60, %mul3A_61 : i32
      %add3A_63 = arith.constant 0 : i32
      %add3A_64 = arith.addi %mul3A_62, %add3A_63 : i32
      %dma_wait3A_65 = arith.constant 0 : i32
      %dma_wait3A_66 = tpu.memref_slice %arg5[%dma_wait3A_65] : memref<3276800xi32, #tpu.memory_space<hbm>> -> memref<512xi32, #tpu.memory_space<hbm>>
      %dma_wait3A_67 = arith.constant 0 : i32
      %dma_wait3A_68 = tpu.memref_slice %arg5[%dma_wait3A_67] : memref<3276800xi32, #tpu.memory_space<hbm>> -> memref<512xi32, #tpu.memory_space<hbm>>
      tpu.wait_dma2 semaphore(%arg29 : memref<!tpu.dma_semaphore, #tpu.memory_space<semaphore_mem>>) src(%dma_wait3A_68 : memref<512xi32, #tpu.memory_space<hbm>>) dst(%arg17 : memref<512xi32, #tpu.memory_space<vmem>>)
      %dma_wait3A_69 = arith.constant 0 : i32
      %dma_wait3A_70 = tpu.memref_slice %arg5[%dma_wait3A_69] : memref<3276800xi32, #tpu.memory_space<hbm>> -> memref<512xi32, #tpu.memory_space<hbm>>
      %dma_wait3A_71 = arith.constant 0 : i32
      %dma_wait3A_72 = tpu.memref_slice %arg5[%dma_wait3A_71] : memref<3276800xi32, #tpu.memory_space<hbm>> -> memref<512xi32, #tpu.memory_space<hbm>>
      tpu.wait_dma2 semaphore(%arg29 : memref<!tpu.dma_semaphore, #tpu.memory_space<semaphore_mem>>) src(%dma_wait3A_72 : memref<512xi32, #tpu.memory_space<hbm>>) dst(%arg19 : memref<512xi32, #tpu.memory_space<vmem>>)
      %dma_wait3A_73 = arith.constant 0 : i32
      %dma_wait3A_74 = tpu.memref_slice %arg5[%dma_wait3A_73] : memref<3276800xi32, #tpu.memory_space<hbm>> -> memref<512xi32, #tpu.memory_space<hbm>>
      %dma_wait3A_75 = arith.constant 0 : i32
      %dma_wait3A_76 = tpu.memref_slice %arg5[%dma_wait3A_75] : memref<3276800xi32, #tpu.memory_space<hbm>> -> memref<512xi32, #tpu.memory_space<hbm>>
      tpu.wait_dma2 semaphore(%arg29 : memref<!tpu.dma_semaphore, #tpu.memory_space<semaphore_mem>>) src(%dma_wait3A_76 : memref<512xi32, #tpu.memory_space<hbm>>) dst(%arg25 : memref<512xi32, #tpu.memory_space<vmem>>)
      %dma_start3A_77 = arith.constant 0 : i32
      %dma_start3A_78 = arith.constant 0 : i32
      %dma_start3A_79 = tpu.memref_slice %arg10[%dma_start3A_77, %dma_start3A_78] : memref<1000000x32xf32, #tpu.memory_space<hbm>> -> memref<1000000x32xf32, #tpu.memory_space<hbm>>
      tpu.enqueue_indirect_dma source(%dma_start3A_79 : memref<1000000x32xf32, #tpu.memory_space<hbm>>) target(%arg21 : memref<512x32xf32, #tpu.memory_space<vmem>>) offsets(%arg17 : memref<512xi32, #tpu.memory_space<vmem>>) semaphore(%arg31 : memref<!tpu.dma_semaphore, #tpu.memory_space<semaphore_mem>>)
      %dma_start3A_80 = arith.constant 0 : i32
      %dma_start3A_81 = arith.constant 0 : i32
      %dma_start3A_82 = tpu.memref_slice %arg11[%dma_start3A_80, %dma_start3A_81] : memref<1000x32xf32, #tpu.memory_space<hbm>> -> memref<1000x32xf32, #tpu.memory_space<hbm>>
      tpu.enqueue_indirect_dma source(%dma_start3A_82 : memref<1000x32xf32, #tpu.memory_space<hbm>>) target(%arg23 : memref<512x32xf32, #tpu.memory_space<vmem>>) offsets(%arg19 : memref<512xi32, #tpu.memory_space<vmem>>) semaphore(%arg31 : memref<!tpu.dma_semaphore, #tpu.memory_space<semaphore_mem>>)
      %ge3A = arith.constant 1 : i32
      %ge3A_83 = arith.cmpi sge, %scan3A_60, %ge3A : i32
      %convert_element_type3A = arith.extui %ge3A_83 : i1 to i32
      %cond3A = arith.constant 0 : i32
      %cond3A_84 = arith.cmpi ne, %convert_element_type3A, %cond3A : i32
      scf.if %cond3A_84 {
        %dma_wait3A_159 = arith.constant 0 : i32
        %dma_wait3A_160 = arith.constant 0 : i32
        %dma_wait3A_161 = tpu.memref_slice %arg35[%dma_wait3A_159, %dma_wait3A_160] : memref<4096x32xf32, #tpu.memory_space<vmem_shared>> -> memref<4096x32xf32, #tpu.memory_space<vmem_shared>>
        tpu.wait_indirect_dma semaphore(%arg34 : memref<!tpu.dma_semaphore, #tpu.memory_space<semaphore_mem>>) src(%arg22 : memref<512x32xf32, #tpu.memory_space<vmem>>) dst(%dma_wait3A_161 : memref<4096x32xf32, #tpu.memory_space<vmem_shared>>)
        %dma_wait3A_162 = arith.constant 0 : i32
        %dma_wait3A_163 = arith.constant 0 : i32
        %dma_wait3A_164 = tpu.memref_slice %arg36[%dma_wait3A_162, %dma_wait3A_163] : memref<4096x32xf32, #tpu.memory_space<vmem_shared>> -> memref<4096x32xf32, #tpu.memory_space<vmem_shared>>
        tpu.wait_indirect_dma semaphore(%arg34 : memref<!tpu.dma_semaphore, #tpu.memory_space<semaphore_mem>>) src(%arg24 : memref<512x32xf32, #tpu.memory_space<vmem>>) dst(%dma_wait3A_164 : memref<4096x32xf32, #tpu.memory_space<vmem_shared>>)
      } else {
      }
      %add3A_85 = arith.constant 1 : i32
      %add3A_86 = arith.addi %add3A_64, %add3A_85 : i32
      %add3A_87 = arith.constant 1 : i32
      %add3A_88 = arith.addi %add3A_64, %add3A_87 : i32
      %mul3A_89 = arith.constant 512 : i32
      %mul3A_90 = arith.muli %add3A_88, %mul3A_89 : i32
      %add3A_91 = arith.addi %add3A_8, %mul3A_90 : i32
      %dma_start3A_92 = tpu.memref_slice %arg5[%add3A_91] : memref<3276800xi32, #tpu.memory_space<hbm>> -> memref<512xi32, #tpu.memory_space<hbm>>
      %dma_start3A_93 = tpu.memref_slice %arg5[%add3A_91] : memref<3276800xi32, #tpu.memory_space<hbm>> -> memref<512xi32, #tpu.memory_space<hbm>>
      tpu.enqueue_dma source(%dma_start3A_93 : memref<512xi32, #tpu.memory_space<hbm>>) target(%arg18 : memref<512xi32, #tpu.memory_space<vmem>>) target_semaphore(%arg30 : memref<!tpu.dma_semaphore, #tpu.memory_space<semaphore_mem>>)
      %dma_start3A_94 = tpu.memref_slice %arg6[%add3A_91] : memref<3276800xi32, #tpu.memory_space<hbm>> -> memref<512xi32, #tpu.memory_space<hbm>>
      %dma_start3A_95 = tpu.memref_slice %arg6[%add3A_91] : memref<3276800xi32, #tpu.memory_space<hbm>> -> memref<512xi32, #tpu.memory_space<hbm>>
      tpu.enqueue_dma source(%dma_start3A_95 : memref<512xi32, #tpu.memory_space<hbm>>) target(%arg20 : memref<512xi32, #tpu.memory_space<vmem>>) target_semaphore(%arg30 : memref<!tpu.dma_semaphore, #tpu.memory_space<semaphore_mem>>)
      %mul3A_96 = arith.constant 51200 : i32
      %mul3A_97 = arith.muli %arg1, %mul3A_96 : i32
      %mul3A_98 = arith.constant 512 : i32
      %mul3A_99 = arith.muli %add3A_86, %mul3A_98 : i32
      %add3A_100 = arith.addi %mul3A_97, %mul3A_99 : i32
      %dma_start3A_101 = tpu.memref_slice %arg7[%add3A_100] : memref<819200xi32, #tpu.memory_space<hbm>> -> memref<512xi32, #tpu.memory_space<hbm>>
      %dma_start3A_102 = tpu.memref_slice %arg7[%add3A_100] : memref<819200xi32, #tpu.memory_space<hbm>> -> memref<512xi32, #tpu.memory_space<hbm>>
      tpu.enqueue_dma source(%dma_start3A_102 : memref<512xi32, #tpu.memory_space<hbm>>) target(%arg26 : memref<512xi32, #tpu.memory_space<vmem>>) target_semaphore(%arg30 : memref<!tpu.dma_semaphore, #tpu.memory_space<semaphore_mem>>)
      %dma_wait3A_103 = arith.constant 0 : i32
      %dma_wait3A_104 = arith.constant 0 : i32
      %dma_wait3A_105 = tpu.memref_slice %arg10[%dma_wait3A_103, %dma_wait3A_104] : memref<1000000x32xf32, #tpu.memory_space<hbm>> -> memref<1000000x32xf32, #tpu.memory_space<hbm>>
      tpu.wait_indirect_dma semaphore(%arg31 : memref<!tpu.dma_semaphore, #tpu.memory_space<semaphore_mem>>) src(%dma_wait3A_105 : memref<1000000x32xf32, #tpu.memory_space<hbm>>) dst(%arg21 : memref<512x32xf32, #tpu.memory_space<vmem>>)
      %dma_wait3A_106 = arith.constant 0 : i32
      %dma_wait3A_107 = arith.constant 0 : i32
      %dma_wait3A_108 = tpu.memref_slice %arg11[%dma_wait3A_106, %dma_wait3A_107] : memref<1000x32xf32, #tpu.memory_space<hbm>> -> memref<1000x32xf32, #tpu.memory_space<hbm>>
      tpu.wait_indirect_dma semaphore(%arg31 : memref<!tpu.dma_semaphore, #tpu.memory_space<semaphore_mem>>) src(%dma_wait3A_108 : memref<1000x32xf32, #tpu.memory_space<hbm>>) dst(%arg23 : memref<512x32xf32, #tpu.memory_space<vmem>>)
      %dma_start3A_109 = arith.constant 0 : i32
      %dma_start3A_110 = arith.constant 0 : i32
      %dma_start3A_111 = tpu.memref_slice %arg35[%dma_start3A_109, %dma_start3A_110] : memref<4096x32xf32, #tpu.memory_space<vmem_shared>> -> memref<4096x32xf32, #tpu.memory_space<vmem_shared>>
      tpu.enqueue_indirect_dma source(%arg21 : memref<512x32xf32, #tpu.memory_space<vmem>>) target(%dma_start3A_111 : memref<4096x32xf32, #tpu.memory_space<vmem_shared>>) offsets(%arg25 : memref<512xi32, #tpu.memory_space<vmem>>) semaphore(%arg33 : memref<!tpu.dma_semaphore, #tpu.memory_space<semaphore_mem>>) {add = true}
      %dma_start3A_112 = arith.constant 0 : i32
      %dma_start3A_113 = arith.constant 0 : i32
      %dma_start3A_114 = tpu.memref_slice %arg36[%dma_start3A_112, %dma_start3A_113] : memref<4096x32xf32, #tpu.memory_space<vmem_shared>> -> memref<4096x32xf32, #tpu.memory_space<vmem_shared>>
      tpu.enqueue_indirect_dma source(%arg23 : memref<512x32xf32, #tpu.memory_space<vmem>>) target(%dma_start3A_114 : memref<4096x32xf32, #tpu.memory_space<vmem_shared>>) offsets(%arg25 : memref<512xi32, #tpu.memory_space<vmem>>) semaphore(%arg33 : memref<!tpu.dma_semaphore, #tpu.memory_space<semaphore_mem>>) {add = true}
      %mul3A_115 = arith.constant 2 : i32
      %mul3A_116 = arith.muli %scan3A_60, %mul3A_115 : i32
      %add3A_117 = arith.constant 1 : i32
      %add3A_118 = arith.addi %mul3A_116, %add3A_117 : i32
      %dma_wait3A_119 = arith.constant 0 : i32
      %dma_wait3A_120 = tpu.memref_slice %arg5[%dma_wait3A_119] : memref<3276800xi32, #tpu.memory_space<hbm>> -> memref<512xi32, #tpu.memory_space<hbm>>
      %dma_wait3A_121 = arith.constant 0 : i32
      %dma_wait3A_122 = tpu.memref_slice %arg5[%dma_wait3A_121] : memref<3276800xi32, #tpu.memory_space<hbm>> -> memref<512xi32, #tpu.memory_space<hbm>>
      tpu.wait_dma2 semaphore(%arg30 : memref<!tpu.dma_semaphore, #tpu.memory_space<semaphore_mem>>) src(%dma_wait3A_122 : memref<512xi32, #tpu.memory_space<hbm>>) dst(%arg18 : memref<512xi32, #tpu.memory_space<vmem>>)
      %dma_wait3A_123 = arith.constant 0 : i32
      %dma_wait3A_124 = tpu.memref_slice %arg5[%dma_wait3A_123] : memref<3276800xi32, #tpu.memory_space<hbm>> -> memref<512xi32, #tpu.memory_space<hbm>>
      %dma_wait3A_125 = arith.constant 0 : i32
      %dma_wait3A_126 = tpu.memref_slice %arg5[%dma_wait3A_125] : memref<3276800xi32, #tpu.memory_space<hbm>> -> memref<512xi32, #tpu.memory_space<hbm>>
      tpu.wait_dma2 semaphore(%arg30 : memref<!tpu.dma_semaphore, #tpu.memory_space<semaphore_mem>>) src(%dma_wait3A_126 : memref<512xi32, #tpu.memory_space<hbm>>) dst(%arg20 : memref<512xi32, #tpu.memory_space<vmem>>)
      %dma_wait3A_127 = arith.constant 0 : i32
      %dma_wait3A_128 = tpu.memref_slice %arg5[%dma_wait3A_127] : memref<3276800xi32, #tpu.memory_space<hbm>> -> memref<512xi32, #tpu.memory_space<hbm>>
      %dma_wait3A_129 = arith.constant 0 : i32
      %dma_wait3A_130 = tpu.memref_slice %arg5[%dma_wait3A_129] : memref<3276800xi32, #tpu.memory_space<hbm>> -> memref<512xi32, #tpu.memory_space<hbm>>
      tpu.wait_dma2 semaphore(%arg30 : memref<!tpu.dma_semaphore, #tpu.memory_space<semaphore_mem>>) src(%dma_wait3A_130 : memref<512xi32, #tpu.memory_space<hbm>>) dst(%arg26 : memref<512xi32, #tpu.memory_space<vmem>>)
      %dma_start3A_131 = arith.constant 0 : i32
      %dma_start3A_132 = arith.constant 0 : i32
      %dma_start3A_133 = tpu.memref_slice %arg10[%dma_start3A_131, %dma_start3A_132] : memref<1000000x32xf32, #tpu.memory_space<hbm>> -> memref<1000000x32xf32, #tpu.memory_space<hbm>>
      tpu.enqueue_indirect_dma source(%dma_start3A_133 : memref<1000000x32xf32, #tpu.memory_space<hbm>>) target(%arg22 : memref<512x32xf32, #tpu.memory_space<vmem>>) offsets(%arg18 : memref<512xi32, #tpu.memory_space<vmem>>) semaphore(%arg32 : memref<!tpu.dma_semaphore, #tpu.memory_space<semaphore_mem>>)
      %dma_start3A_134 = arith.constant 0 : i32
      %dma_start3A_135 = arith.constant 0 : i32
      %dma_start3A_136 = tpu.memref_slice %arg11[%dma_start3A_134, %dma_start3A_135] : memref<1000x32xf32, #tpu.memory_space<hbm>> -> memref<1000x32xf32, #tpu.memory_space<hbm>>
      tpu.enqueue_indirect_dma source(%dma_start3A_136 : memref<1000x32xf32, #tpu.memory_space<hbm>>) target(%arg24 : memref<512x32xf32, #tpu.memory_space<vmem>>) offsets(%arg20 : memref<512xi32, #tpu.memory_space<vmem>>) semaphore(%arg32 : memref<!tpu.dma_semaphore, #tpu.memory_space<semaphore_mem>>)
      %dma_wait3A_137 = arith.constant 0 : i32
      %dma_wait3A_138 = arith.constant 0 : i32
      %dma_wait3A_139 = tpu.memref_slice %arg35[%dma_wait3A_137, %dma_wait3A_138] : memref<4096x32xf32, #tpu.memory_space<vmem_shared>> -> memref<4096x32xf32, #tpu.memory_space<vmem_shared>>
      tpu.wait_indirect_dma semaphore(%arg33 : memref<!tpu.dma_semaphore, #tpu.memory_space<semaphore_mem>>) src(%arg21 : memref<512x32xf32, #tpu.memory_space<vmem>>) dst(%dma_wait3A_139 : memref<4096x32xf32, #tpu.memory_space<vmem_shared>>)
      %dma_wait3A_140 = arith.constant 0 : i32
      %dma_wait3A_141 = arith.constant 0 : i32
      %dma_wait3A_142 = tpu.memref_slice %arg36[%dma_wait3A_140, %dma_wait3A_141] : memref<4096x32xf32, #tpu.memory_space<vmem_shared>> -> memref<4096x32xf32, #tpu.memory_space<vmem_shared>>
      tpu.wait_indirect_dma semaphore(%arg33 : memref<!tpu.dma_semaphore, #tpu.memory_space<semaphore_mem>>) src(%arg23 : memref<512x32xf32, #tpu.memory_space<vmem>>) dst(%dma_wait3A_142 : memref<4096x32xf32, #tpu.memory_space<vmem_shared>>)
      %lt3A = arith.constant 49 : i32
      %lt3A_143 = arith.cmpi slt, %scan3A_60, %lt3A : i32
      %convert_element_type3A_144 = arith.extui %lt3A_143 : i1 to i32
      %cond3A_145 = arith.constant 0 : i32
      %cond3A_146 = arith.cmpi ne, %convert_element_type3A_144, %cond3A_145 : i32
      scf.if %cond3A_146 {
        %add3A_159 = arith.constant 1 : i32
        %add3A_160 = arith.addi %add3A_118, %add3A_159 : i32
        %add3A_161 = arith.constant 1 : i32
        %add3A_162 = arith.addi %add3A_118, %add3A_161 : i32
        %mul3A_163 = arith.constant 512 : i32
        %mul3A_164 = arith.muli %add3A_162, %mul3A_163 : i32
        %add3A_165 = arith.addi %add3A_8, %mul3A_164 : i32
        %dma_start3A_166 = tpu.memref_slice %arg5[%add3A_165] : memref<3276800xi32, #tpu.memory_space<hbm>> -> memref<512xi32, #tpu.memory_space<hbm>>
        %dma_start3A_167 = tpu.memref_slice %arg5[%add3A_165] : memref<3276800xi32, #tpu.memory_space<hbm>> -> memref<512xi32, #tpu.memory_space<hbm>>
        tpu.enqueue_dma source(%dma_start3A_167 : memref<512xi32, #tpu.memory_space<hbm>>) target(%arg17 : memref<512xi32, #tpu.memory_space<vmem>>) target_semaphore(%arg29 : memref<!tpu.dma_semaphore, #tpu.memory_space<semaphore_mem>>)
        %dma_start3A_168 = tpu.memref_slice %arg6[%add3A_165] : memref<3276800xi32, #tpu.memory_space<hbm>> -> memref<512xi32, #tpu.memory_space<hbm>>
        %dma_start3A_169 = tpu.memref_slice %arg6[%add3A_165] : memref<3276800xi32, #tpu.memory_space<hbm>> -> memref<512xi32, #tpu.memory_space<hbm>>
        tpu.enqueue_dma source(%dma_start3A_169 : memref<512xi32, #tpu.memory_space<hbm>>) target(%arg19 : memref<512xi32, #tpu.memory_space<vmem>>) target_semaphore(%arg29 : memref<!tpu.dma_semaphore, #tpu.memory_space<semaphore_mem>>)
        %mul3A_170 = arith.constant 51200 : i32
        %mul3A_171 = arith.muli %arg1, %mul3A_170 : i32
        %mul3A_172 = arith.constant 512 : i32
        %mul3A_173 = arith.muli %add3A_160, %mul3A_172 : i32
        %add3A_174 = arith.addi %mul3A_171, %mul3A_173 : i32
        %dma_start3A_175 = tpu.memref_slice %arg7[%add3A_174] : memref<819200xi32, #tpu.memory_space<hbm>> -> memref<512xi32, #tpu.memory_space<hbm>>
        %dma_start3A_176 = tpu.memref_slice %arg7[%add3A_174] : memref<819200xi32, #tpu.memory_space<hbm>> -> memref<512xi32, #tpu.memory_space<hbm>>
        tpu.enqueue_dma source(%dma_start3A_176 : memref<512xi32, #tpu.memory_space<hbm>>) target(%arg25 : memref<512xi32, #tpu.memory_space<vmem>>) target_semaphore(%arg29 : memref<!tpu.dma_semaphore, #tpu.memory_space<semaphore_mem>>)
      } else {
      }
      %dma_wait3A_147 = arith.constant 0 : i32
      %dma_wait3A_148 = arith.constant 0 : i32
      %dma_wait3A_149 = tpu.memref_slice %arg10[%dma_wait3A_147, %dma_wait3A_148] : memref<1000000x32xf32, #tpu.memory_space<hbm>> -> memref<1000000x32xf32, #tpu.memory_space<hbm>>
      tpu.wait_indirect_dma semaphore(%arg32 : memref<!tpu.dma_semaphore, #tpu.memory_space<semaphore_mem>>) src(%dma_wait3A_149 : memref<1000000x32xf32, #tpu.memory_space<hbm>>) dst(%arg22 : memref<512x32xf32, #tpu.memory_space<vmem>>)
      %dma_wait3A_150 = arith.constant 0 : i32
      %dma_wait3A_151 = arith.constant 0 : i32
      %dma_wait3A_152 = tpu.memref_slice %arg11[%dma_wait3A_150, %dma_wait3A_151] : memref<1000x32xf32, #tpu.memory_space<hbm>> -> memref<1000x32xf32, #tpu.memory_space<hbm>>
      tpu.wait_indirect_dma semaphore(%arg32 : memref<!tpu.dma_semaphore, #tpu.memory_space<semaphore_mem>>) src(%dma_wait3A_152 : memref<1000x32xf32, #tpu.memory_space<hbm>>) dst(%arg24 : memref<512x32xf32, #tpu.memory_space<vmem>>)
      %dma_start3A_153 = arith.constant 0 : i32
      %dma_start3A_154 = arith.constant 0 : i32
      %dma_start3A_155 = tpu.memref_slice %arg35[%dma_start3A_153, %dma_start3A_154] : memref<4096x32xf32, #tpu.memory_space<vmem_shared>> -> memref<4096x32xf32, #tpu.memory_space<vmem_shared>>
      tpu.enqueue_indirect_dma source(%arg22 : memref<512x32xf32, #tpu.memory_space<vmem>>) target(%dma_start3A_155 : memref<4096x32xf32, #tpu.memory_space<vmem_shared>>) offsets(%arg26 : memref<512xi32, #tpu.memory_space<vmem>>) semaphore(%arg34 : memref<!tpu.dma_semaphore, #tpu.memory_space<semaphore_mem>>) {add = true}
      %dma_start3A_156 = arith.constant 0 : i32
      %dma_start3A_157 = arith.constant 0 : i32
      %dma_start3A_158 = tpu.memref_slice %arg36[%dma_start3A_156, %dma_start3A_157] : memref<4096x32xf32, #tpu.memory_space<vmem_shared>> -> memref<4096x32xf32, #tpu.memory_space<vmem_shared>>
      tpu.enqueue_indirect_dma source(%arg24 : memref<512x32xf32, #tpu.memory_space<vmem>>) target(%dma_start3A_158 : memref<4096x32xf32, #tpu.memory_space<vmem_shared>>) offsets(%arg26 : memref<512xi32, #tpu.memory_space<vmem>>) semaphore(%arg34 : memref<!tpu.dma_semaphore, #tpu.memory_space<semaphore_mem>>) {add = true}
    }
    %scan3A_22 = arith.constant 50 : i32
    %dma_wait3A = arith.constant 0 : i32
    %dma_wait3A_23 = arith.constant 0 : i32
    %dma_wait3A_24 = tpu.memref_slice %arg35[%dma_wait3A, %dma_wait3A_23] : memref<4096x32xf32, #tpu.memory_space<vmem_shared>> -> memref<4096x32xf32, #tpu.memory_space<vmem_shared>>
    tpu.wait_indirect_dma semaphore(%arg34 : memref<!tpu.dma_semaphore, #tpu.memory_space<semaphore_mem>>) src(%arg22 : memref<512x32xf32, #tpu.memory_space<vmem>>) dst(%dma_wait3A_24 : memref<4096x32xf32, #tpu.memory_space<vmem_shared>>)
    %dma_wait3A_25 = arith.constant 0 : i32
    %dma_wait3A_26 = arith.constant 0 : i32
    %dma_wait3A_27 = tpu.memref_slice %arg36[%dma_wait3A_25, %dma_wait3A_26] : memref<4096x32xf32, #tpu.memory_space<vmem_shared>> -> memref<4096x32xf32, #tpu.memory_space<vmem_shared>>
    tpu.wait_indirect_dma semaphore(%arg34 : memref<!tpu.dma_semaphore, #tpu.memory_space<semaphore_mem>>) src(%arg24 : memref<512x32xf32, #tpu.memory_space<vmem>>) dst(%dma_wait3A_27 : memref<4096x32xf32, #tpu.memory_space<vmem_shared>>)
    %add3A_28 = arith.constant 0 : i32
    %add3A_29 = arith.addi %mul3A_2, %add3A_28 : i32
    "tpu.region"() ({
      %run_scoped3A = tpu.sem_alloc : memref<!tpu.dma_semaphore, #tpu.memory_space<semaphore_mem>>
      %dma_start3A_60 = arith.constant 0 : i32
      %dma_start3A_61 = tpu.memref_slice %arg15[%add3A_29, %dma_start3A_60] : memref<16384x32xf32, #tpu.memory_space<hbm>> -> memref<256x32xf32, #tpu.memory_space<hbm>>
      %dma_start3A_62 = arith.constant 0 : i32
      %dma_start3A_63 = tpu.memref_slice %arg35[%mul3A_4, %dma_start3A_62] : memref<4096x32xf32, #tpu.memory_space<vmem_shared>> -> memref<256x32xf32, #tpu.memory_space<vmem_shared>>
      tpu.enqueue_dma source(%dma_start3A_63 : memref<256x32xf32, #tpu.memory_space<vmem_shared>>) target(%dma_start3A_61 : memref<256x32xf32, #tpu.memory_space<hbm>>) target_semaphore(%run_scoped3A : memref<!tpu.dma_semaphore, #tpu.memory_space<semaphore_mem>>)
      %dma_wait3A_64 = arith.constant 0 : i32
      %dma_wait3A_65 = tpu.memref_slice %arg15[%add3A_29, %dma_wait3A_64] : memref<16384x32xf32, #tpu.memory_space<hbm>> -> memref<256x32xf32, #tpu.memory_space<hbm>>
      %dma_wait3A_66 = arith.constant 0 : i32
      %dma_wait3A_67 = tpu.memref_slice %arg35[%mul3A_4, %dma_wait3A_66] : memref<4096x32xf32, #tpu.memory_space<vmem_shared>> -> memref<256x32xf32, #tpu.memory_space<vmem_shared>>
      tpu.wait_dma2 semaphore(%run_scoped3A : memref<!tpu.dma_semaphore, #tpu.memory_space<semaphore_mem>>) src(%dma_wait3A_67 : memref<256x32xf32, #tpu.memory_space<vmem_shared>>) dst(%dma_wait3A_65 : memref<256x32xf32, #tpu.memory_space<hbm>>)
      tpu.yield
    }) : () -> ()
    %add3A_30 = arith.constant 0 : i32
    %add3A_31 = arith.addi %mul3A_2, %add3A_30 : i32
    "tpu.region"() ({
      %run_scoped3A = tpu.sem_alloc : memref<!tpu.dma_semaphore, #tpu.memory_space<semaphore_mem>>
      %dma_start3A_60 = arith.constant 0 : i32
      %dma_start3A_61 = tpu.memref_slice %arg16[%add3A_31, %dma_start3A_60] : memref<16384x32xf32, #tpu.memory_space<hbm>> -> memref<256x32xf32, #tpu.memory_space<hbm>>
      %dma_start3A_62 = arith.constant 0 : i32
      %dma_start3A_63 = tpu.memref_slice %arg36[%mul3A_4, %dma_start3A_62] : memref<4096x32xf32, #tpu.memory_space<vmem_shared>> -> memref<256x32xf32, #tpu.memory_space<vmem_shared>>
      tpu.enqueue_dma source(%dma_start3A_63 : memref<256x32xf32, #tpu.memory_space<vmem_shared>>) target(%dma_start3A_61 : memref<256x32xf32, #tpu.memory_space<hbm>>) target_semaphore(%run_scoped3A : memref<!tpu.dma_semaphore, #tpu.memory_space<semaphore_mem>>)
      %dma_wait3A_64 = arith.constant 0 : i32
      %dma_wait3A_65 = tpu.memref_slice %arg16[%add3A_31, %dma_wait3A_64] : memref<16384x32xf32, #tpu.memory_space<hbm>> -> memref<256x32xf32, #tpu.memory_space<hbm>>
      %dma_wait3A_66 = arith.constant 0 : i32
      %dma_wait3A_67 = tpu.memref_slice %arg36[%mul3A_4, %dma_wait3A_66] : memref<4096x32xf32, #tpu.memory_space<vmem_shared>> -> memref<256x32xf32, #tpu.memory_space<vmem_shared>>
      tpu.wait_dma2 semaphore(%run_scoped3A : memref<!tpu.dma_semaphore, #tpu.memory_space<semaphore_mem>>) src(%dma_wait3A_67 : memref<256x32xf32, #tpu.memory_space<vmem_shared>>) dst(%dma_wait3A_65 : memref<256x32xf32, #tpu.memory_space<hbm>>)
      tpu.yield
    }) : () -> ()
    "tpu.region"() ({
      %run_scoped3A = tpu.sem_alloc : memref<!tpu.dma_semaphore, #tpu.memory_space<semaphore_mem>>
      %dma_start3A_60 = arith.constant 0 : i32
      %dma_start3A_61 = tpu.memref_slice %arg35[%mul3A_4, %dma_start3A_60] : memref<4096x32xf32, #tpu.memory_space<vmem_shared>> -> memref<256x32xf32, #tpu.memory_space<vmem_shared>>
      tpu.enqueue_dma source(%arg8 : memref<256x32xf32, #tpu.memory_space<hbm>>) target(%dma_start3A_61 : memref<256x32xf32, #tpu.memory_space<vmem_shared>>) target_semaphore(%run_scoped3A : memref<!tpu.dma_semaphore, #tpu.memory_space<semaphore_mem>>)
      %dma_wait3A_62 = arith.constant 0 : i32
      %dma_wait3A_63 = tpu.memref_slice %arg35[%mul3A_4, %dma_wait3A_62] : memref<4096x32xf32, #tpu.memory_space<vmem_shared>> -> memref<256x32xf32, #tpu.memory_space<vmem_shared>>
      tpu.wait_dma2 semaphore(%run_scoped3A : memref<!tpu.dma_semaphore, #tpu.memory_space<semaphore_mem>>) src(%arg8 : memref<256x32xf32, #tpu.memory_space<hbm>>) dst(%dma_wait3A_63 : memref<256x32xf32, #tpu.memory_space<vmem_shared>>)
      tpu.yield
    }) : () -> ()
    "tpu.region"() ({
      %run_scoped3A = tpu.sem_alloc : memref<!tpu.dma_semaphore, #tpu.memory_space<semaphore_mem>>
      %dma_start3A_60 = arith.constant 0 : i32
      %dma_start3A_61 = tpu.memref_slice %arg36[%mul3A_4, %dma_start3A_60] : memref<4096x32xf32, #tpu.memory_space<vmem_shared>> -> memref<256x32xf32, #tpu.memory_space<vmem_shared>>
      tpu.enqueue_dma source(%arg8 : memref<256x32xf32, #tpu.memory_space<hbm>>) target(%dma_start3A_61 : memref<256x32xf32, #tpu.memory_space<vmem_shared>>) target_semaphore(%run_scoped3A : memref<!tpu.dma_semaphore, #tpu.memory_space<semaphore_mem>>)
      %dma_wait3A_62 = arith.constant 0 : i32
      %dma_wait3A_63 = tpu.memref_slice %arg36[%mul3A_4, %dma_wait3A_62] : memref<4096x32xf32, #tpu.memory_space<vmem_shared>> -> memref<256x32xf32, #tpu.memory_space<vmem_shared>>
      tpu.wait_dma2 semaphore(%run_scoped3A : memref<!tpu.dma_semaphore, #tpu.memory_space<semaphore_mem>>) src(%arg8 : memref<256x32xf32, #tpu.memory_space<hbm>>) dst(%dma_wait3A_63 : memref<256x32xf32, #tpu.memory_space<vmem_shared>>)
      tpu.yield
    }) : () -> ()
    %add3A_32 = arith.constant 51200 : i32
    %add3A_33 = arith.addi %mul3A_6, %add3A_32 : i32
    %dma_start3A_34 = tpu.memref_slice %arg5[%add3A_33] : memref<3276800xi32, #tpu.memory_space<hbm>> -> memref<512xi32, #tpu.memory_space<hbm>>
    %dma_start3A_35 = tpu.memref_slice %arg5[%add3A_33] : memref<3276800xi32, #tpu.memory_space<hbm>> -> memref<512xi32, #tpu.memory_space<hbm>>
    tpu.enqueue_dma source(%dma_start3A_35 : memref<512xi32, #tpu.memory_space<hbm>>) target(%arg17 : memref<512xi32, #tpu.memory_space<vmem>>) target_semaphore(%arg29 : memref<!tpu.dma_semaphore, #tpu.memory_space<semaphore_mem>>)
    %dma_start3A_36 = tpu.memref_slice %arg6[%add3A_33] : memref<3276800xi32, #tpu.memory_space<hbm>> -> memref<512xi32, #tpu.memory_space<hbm>>
    %dma_start3A_37 = tpu.memref_slice %arg6[%add3A_33] : memref<3276800xi32, #tpu.memory_space<hbm>> -> memref<512xi32, #tpu.memory_space<hbm>>
    tpu.enqueue_dma source(%dma_start3A_37 : memref<512xi32, #tpu.memory_space<hbm>>) target(%arg19 : memref<512xi32, #tpu.memory_space<vmem>>) target_semaphore(%arg29 : memref<!tpu.dma_semaphore, #tpu.memory_space<semaphore_mem>>)
    %mul3A_38 = arith.constant 51200 : i32
    %mul3A_39 = arith.muli %arg1, %mul3A_38 : i32
    %add3A_40 = arith.constant 0 : i32
    %add3A_41 = arith.addi %mul3A_39, %add3A_40 : i32
    %dma_start3A_42 = tpu.memref_slice %arg7[%add3A_41] : memref<819200xi32, #tpu.memory_space<hbm>> -> memref<512xi32, #tpu.memory_space<hbm>>
    %dma_start3A_43 = tpu.memref_slice %arg7[%add3A_41] : memref<819200xi32, #tpu.memory_space<hbm>> -> memref<512xi32, #tpu.memory_space<hbm>>
    tpu.enqueue_dma source(%dma_start3A_43 : memref<512xi32, #tpu.memory_space<hbm>>) target(%arg25 : memref<512xi32, #tpu.memory_space<vmem>>) target_semaphore(%arg29 : memref<!tpu.dma_semaphore, #tpu.memory_space<semaphore_mem>>)
    %scan3A_44 = arith.constant 0 : i32
    %scan3A_45 = arith.constant 0 : i32
    %scan3A_46 = arith.constant 50 : i32
    %scan3A_47 = arith.addi %scan3A_45, %scan3A_46 : i32
    %scan3A_48 = arith.constant 1 : i32
    scf.for %scan3A_60 = %scan3A_45 to %scan3A_47 step %scan3A_48  : i32 {
      %mul3A_61 = arith.constant 2 : i32
      %mul3A_62 = arith.muli %scan3A_60, %mul3A_61 : i32
      %add3A_63 = arith.constant 0 : i32
      %add3A_64 = arith.addi %mul3A_62, %add3A_63 : i32
      %dma_wait3A_65 = arith.constant 0 : i32
      %dma_wait3A_66 = tpu.memref_slice %arg5[%dma_wait3A_65] : memref<3276800xi32, #tpu.memory_space<hbm>> -> memref<512xi32, #tpu.memory_space<hbm>>
      %dma_wait3A_67 = arith.constant 0 : i32
      %dma_wait3A_68 = tpu.memref_slice %arg5[%dma_wait3A_67] : memref<3276800xi32, #tpu.memory_space<hbm>> -> memref<512xi32, #tpu.memory_space<hbm>>
      tpu.wait_dma2 semaphore(%arg29 : memref<!tpu.dma_semaphore, #tpu.memory_space<semaphore_mem>>) src(%dma_wait3A_68 : memref<512xi32, #tpu.memory_space<hbm>>) dst(%arg17 : memref<512xi32, #tpu.memory_space<vmem>>)
      %dma_wait3A_69 = arith.constant 0 : i32
      %dma_wait3A_70 = tpu.memref_slice %arg5[%dma_wait3A_69] : memref<3276800xi32, #tpu.memory_space<hbm>> -> memref<512xi32, #tpu.memory_space<hbm>>
      %dma_wait3A_71 = arith.constant 0 : i32
      %dma_wait3A_72 = tpu.memref_slice %arg5[%dma_wait3A_71] : memref<3276800xi32, #tpu.memory_space<hbm>> -> memref<512xi32, #tpu.memory_space<hbm>>
      tpu.wait_dma2 semaphore(%arg29 : memref<!tpu.dma_semaphore, #tpu.memory_space<semaphore_mem>>) src(%dma_wait3A_72 : memref<512xi32, #tpu.memory_space<hbm>>) dst(%arg19 : memref<512xi32, #tpu.memory_space<vmem>>)
      %dma_wait3A_73 = arith.constant 0 : i32
      %dma_wait3A_74 = tpu.memref_slice %arg5[%dma_wait3A_73] : memref<3276800xi32, #tpu.memory_space<hbm>> -> memref<512xi32, #tpu.memory_space<hbm>>
      %dma_wait3A_75 = arith.constant 0 : i32
      %dma_wait3A_76 = tpu.memref_slice %arg5[%dma_wait3A_75] : memref<3276800xi32, #tpu.memory_space<hbm>> -> memref<512xi32, #tpu.memory_space<hbm>>
      tpu.wait_dma2 semaphore(%arg29 : memref<!tpu.dma_semaphore, #tpu.memory_space<semaphore_mem>>) src(%dma_wait3A_76 : memref<512xi32, #tpu.memory_space<hbm>>) dst(%arg25 : memref<512xi32, #tpu.memory_space<vmem>>)
      %dma_start3A_77 = arith.constant 0 : i32
      %dma_start3A_78 = arith.constant 0 : i32
      %dma_start3A_79 = tpu.memref_slice %arg10[%dma_start3A_77, %dma_start3A_78] : memref<1000000x32xf32, #tpu.memory_space<hbm>> -> memref<1000000x32xf32, #tpu.memory_space<hbm>>
      tpu.enqueue_indirect_dma source(%dma_start3A_79 : memref<1000000x32xf32, #tpu.memory_space<hbm>>) target(%arg21 : memref<512x32xf32, #tpu.memory_space<vmem>>) offsets(%arg17 : memref<512xi32, #tpu.memory_space<vmem>>) semaphore(%arg31 : memref<!tpu.dma_semaphore, #tpu.memory_space<semaphore_mem>>)
      %dma_start3A_80 = arith.constant 0 : i32
      %dma_start3A_81 = arith.constant 0 : i32
      %dma_start3A_82 = tpu.memref_slice %arg11[%dma_start3A_80, %dma_start3A_81] : memref<1000x32xf32, #tpu.memory_space<hbm>> -> memref<1000x32xf32, #tpu.memory_space<hbm>>
      tpu.enqueue_indirect_dma source(%dma_start3A_82 : memref<1000x32xf32, #tpu.memory_space<hbm>>) target(%arg23 : memref<512x32xf32, #tpu.memory_space<vmem>>) offsets(%arg19 : memref<512xi32, #tpu.memory_space<vmem>>) semaphore(%arg31 : memref<!tpu.dma_semaphore, #tpu.memory_space<semaphore_mem>>)
      %ge3A = arith.constant 1 : i32
      %ge3A_83 = arith.cmpi sge, %scan3A_60, %ge3A : i32
      %convert_element_type3A = arith.extui %ge3A_83 : i1 to i32
      %cond3A = arith.constant 0 : i32
      %cond3A_84 = arith.cmpi ne, %convert_element_type3A, %cond3A : i32
      scf.if %cond3A_84 {
        %dma_wait3A_159 = arith.constant 0 : i32
        %dma_wait3A_160 = arith.constant 0 : i32
        %dma_wait3A_161 = tpu.memref_slice %arg35[%dma_wait3A_159, %dma_wait3A_160] : memref<4096x32xf32, #tpu.memory_space<vmem_shared>> -> memref<4096x32xf32, #tpu.memory_space<vmem_shared>>
        tpu.wait_indirect_dma semaphore(%arg34 : memref<!tpu.dma_semaphore, #tpu.memory_space<semaphore_mem>>) src(%arg22 : memref<512x32xf32, #tpu.memory_space<vmem>>) dst(%dma_wait3A_161 : memref<4096x32xf32, #tpu.memory_space<vmem_shared>>)
        %dma_wait3A_162 = arith.constant 0 : i32
        %dma_wait3A_163 = arith.constant 0 : i32
        %dma_wait3A_164 = tpu.memref_slice %arg36[%dma_wait3A_162, %dma_wait3A_163] : memref<4096x32xf32, #tpu.memory_space<vmem_shared>> -> memref<4096x32xf32, #tpu.memory_space<vmem_shared>>
        tpu.wait_indirect_dma semaphore(%arg34 : memref<!tpu.dma_semaphore, #tpu.memory_space<semaphore_mem>>) src(%arg24 : memref<512x32xf32, #tpu.memory_space<vmem>>) dst(%dma_wait3A_164 : memref<4096x32xf32, #tpu.memory_space<vmem_shared>>)
      } else {
      }
      %add3A_85 = arith.constant 1 : i32
      %add3A_86 = arith.addi %add3A_64, %add3A_85 : i32
      %add3A_87 = arith.constant 1 : i32
      %add3A_88 = arith.addi %add3A_64, %add3A_87 : i32
      %mul3A_89 = arith.constant 512 : i32
      %mul3A_90 = arith.muli %add3A_88, %mul3A_89 : i32
      %add3A_91 = arith.addi %add3A_33, %mul3A_90 : i32
      %dma_start3A_92 = tpu.memref_slice %arg5[%add3A_91] : memref<3276800xi32, #tpu.memory_space<hbm>> -> memref<512xi32, #tpu.memory_space<hbm>>
      %dma_start3A_93 = tpu.memref_slice %arg5[%add3A_91] : memref<3276800xi32, #tpu.memory_space<hbm>> -> memref<512xi32, #tpu.memory_space<hbm>>
      tpu.enqueue_dma source(%dma_start3A_93 : memref<512xi32, #tpu.memory_space<hbm>>) target(%arg18 : memref<512xi32, #tpu.memory_space<vmem>>) target_semaphore(%arg30 : memref<!tpu.dma_semaphore, #tpu.memory_space<semaphore_mem>>)
      %dma_start3A_94 = tpu.memref_slice %arg6[%add3A_91] : memref<3276800xi32, #tpu.memory_space<hbm>> -> memref<512xi32, #tpu.memory_space<hbm>>
      %dma_start3A_95 = tpu.memref_slice %arg6[%add3A_91] : memref<3276800xi32, #tpu.memory_space<hbm>> -> memref<512xi32, #tpu.memory_space<hbm>>
      tpu.enqueue_dma source(%dma_start3A_95 : memref<512xi32, #tpu.memory_space<hbm>>) target(%arg20 : memref<512xi32, #tpu.memory_space<vmem>>) target_semaphore(%arg30 : memref<!tpu.dma_semaphore, #tpu.memory_space<semaphore_mem>>)
      %mul3A_96 = arith.constant 51200 : i32
      %mul3A_97 = arith.muli %arg1, %mul3A_96 : i32
      %mul3A_98 = arith.constant 512 : i32
      %mul3A_99 = arith.muli %add3A_86, %mul3A_98 : i32
      %add3A_100 = arith.addi %mul3A_97, %mul3A_99 : i32
      %dma_start3A_101 = tpu.memref_slice %arg7[%add3A_100] : memref<819200xi32, #tpu.memory_space<hbm>> -> memref<512xi32, #tpu.memory_space<hbm>>
      %dma_start3A_102 = tpu.memref_slice %arg7[%add3A_100] : memref<819200xi32, #tpu.memory_space<hbm>> -> memref<512xi32, #tpu.memory_space<hbm>>
      tpu.enqueue_dma source(%dma_start3A_102 : memref<512xi32, #tpu.memory_space<hbm>>) target(%arg26 : memref<512xi32, #tpu.memory_space<vmem>>) target_semaphore(%arg30 : memref<!tpu.dma_semaphore, #tpu.memory_space<semaphore_mem>>)
      %dma_wait3A_103 = arith.constant 0 : i32
      %dma_wait3A_104 = arith.constant 0 : i32
      %dma_wait3A_105 = tpu.memref_slice %arg10[%dma_wait3A_103, %dma_wait3A_104] : memref<1000000x32xf32, #tpu.memory_space<hbm>> -> memref<1000000x32xf32, #tpu.memory_space<hbm>>
      tpu.wait_indirect_dma semaphore(%arg31 : memref<!tpu.dma_semaphore, #tpu.memory_space<semaphore_mem>>) src(%dma_wait3A_105 : memref<1000000x32xf32, #tpu.memory_space<hbm>>) dst(%arg21 : memref<512x32xf32, #tpu.memory_space<vmem>>)
      %dma_wait3A_106 = arith.constant 0 : i32
      %dma_wait3A_107 = arith.constant 0 : i32
      %dma_wait3A_108 = tpu.memref_slice %arg11[%dma_wait3A_106, %dma_wait3A_107] : memref<1000x32xf32, #tpu.memory_space<hbm>> -> memref<1000x32xf32, #tpu.memory_space<hbm>>
      tpu.wait_indirect_dma semaphore(%arg31 : memref<!tpu.dma_semaphore, #tpu.memory_space<semaphore_mem>>) src(%dma_wait3A_108 : memref<1000x32xf32, #tpu.memory_space<hbm>>) dst(%arg23 : memref<512x32xf32, #tpu.memory_space<vmem>>)
      %dma_start3A_109 = arith.constant 0 : i32
      %dma_start3A_110 = arith.constant 0 : i32
      %dma_start3A_111 = tpu.memref_slice %arg35[%dma_start3A_109, %dma_start3A_110] : memref<4096x32xf32, #tpu.memory_space<vmem_shared>> -> memref<4096x32xf32, #tpu.memory_space<vmem_shared>>
      tpu.enqueue_indirect_dma source(%arg21 : memref<512x32xf32, #tpu.memory_space<vmem>>) target(%dma_start3A_111 : memref<4096x32xf32, #tpu.memory_space<vmem_shared>>) offsets(%arg25 : memref<512xi32, #tpu.memory_space<vmem>>) semaphore(%arg33 : memref<!tpu.dma_semaphore, #tpu.memory_space<semaphore_mem>>) {add = true}
      %dma_start3A_112 = arith.constant 0 : i32
      %dma_start3A_113 = arith.constant 0 : i32
      %dma_start3A_114 = tpu.memref_slice %arg36[%dma_start3A_112, %dma_start3A_113] : memref<4096x32xf32, #tpu.memory_space<vmem_shared>> -> memref<4096x32xf32, #tpu.memory_space<vmem_shared>>
      tpu.enqueue_indirect_dma source(%arg23 : memref<512x32xf32, #tpu.memory_space<vmem>>) target(%dma_start3A_114 : memref<4096x32xf32, #tpu.memory_space<vmem_shared>>) offsets(%arg25 : memref<512xi32, #tpu.memory_space<vmem>>) semaphore(%arg33 : memref<!tpu.dma_semaphore, #tpu.memory_space<semaphore_mem>>) {add = true}
      %mul3A_115 = arith.constant 2 : i32
      %mul3A_116 = arith.muli %scan3A_60, %mul3A_115 : i32
      %add3A_117 = arith.constant 1 : i32
      %add3A_118 = arith.addi %mul3A_116, %add3A_117 : i32
      %dma_wait3A_119 = arith.constant 0 : i32
      %dma_wait3A_120 = tpu.memref_slice %arg5[%dma_wait3A_119] : memref<3276800xi32, #tpu.memory_space<hbm>> -> memref<512xi32, #tpu.memory_space<hbm>>
      %dma_wait3A_121 = arith.constant 0 : i32
      %dma_wait3A_122 = tpu.memref_slice %arg5[%dma_wait3A_121] : memref<3276800xi32, #tpu.memory_space<hbm>> -> memref<512xi32, #tpu.memory_space<hbm>>
      tpu.wait_dma2 semaphore(%arg30 : memref<!tpu.dma_semaphore, #tpu.memory_space<semaphore_mem>>) src(%dma_wait3A_122 : memref<512xi32, #tpu.memory_space<hbm>>) dst(%arg18 : memref<512xi32, #tpu.memory_space<vmem>>)
      %dma_wait3A_123 = arith.constant 0 : i32
      %dma_wait3A_124 = tpu.memref_slice %arg5[%dma_wait3A_123] : memref<3276800xi32, #tpu.memory_space<hbm>> -> memref<512xi32, #tpu.memory_space<hbm>>
      %dma_wait3A_125 = arith.constant 0 : i32
      %dma_wait3A_126 = tpu.memref_slice %arg5[%dma_wait3A_125] : memref<3276800xi32, #tpu.memory_space<hbm>> -> memref<512xi32, #tpu.memory_space<hbm>>
      tpu.wait_dma2 semaphore(%arg30 : memref<!tpu.dma_semaphore, #tpu.memory_space<semaphore_mem>>) src(%dma_wait3A_126 : memref<512xi32, #tpu.memory_space<hbm>>) dst(%arg20 : memref<512xi32, #tpu.memory_space<vmem>>)
      %dma_wait3A_127 = arith.constant 0 : i32
      %dma_wait3A_128 = tpu.memref_slice %arg5[%dma_wait3A_127] : memref<3276800xi32, #tpu.memory_space<hbm>> -> memref<512xi32, #tpu.memory_space<hbm>>
      %dma_wait3A_129 = arith.constant 0 : i32
      %dma_wait3A_130 = tpu.memref_slice %arg5[%dma_wait3A_129] : memref<3276800xi32, #tpu.memory_space<hbm>> -> memref<512xi32, #tpu.memory_space<hbm>>
      tpu.wait_dma2 semaphore(%arg30 : memref<!tpu.dma_semaphore, #tpu.memory_space<semaphore_mem>>) src(%dma_wait3A_130 : memref<512xi32, #tpu.memory_space<hbm>>) dst(%arg26 : memref<512xi32, #tpu.memory_space<vmem>>)
      %dma_start3A_131 = arith.constant 0 : i32
      %dma_start3A_132 = arith.constant 0 : i32
      %dma_start3A_133 = tpu.memref_slice %arg10[%dma_start3A_131, %dma_start3A_132] : memref<1000000x32xf32, #tpu.memory_space<hbm>> -> memref<1000000x32xf32, #tpu.memory_space<hbm>>
      tpu.enqueue_indirect_dma source(%dma_start3A_133 : memref<1000000x32xf32, #tpu.memory_space<hbm>>) target(%arg22 : memref<512x32xf32, #tpu.memory_space<vmem>>) offsets(%arg18 : memref<512xi32, #tpu.memory_space<vmem>>) semaphore(%arg32 : memref<!tpu.dma_semaphore, #tpu.memory_space<semaphore_mem>>)
      %dma_start3A_134 = arith.constant 0 : i32
      %dma_start3A_135 = arith.constant 0 : i32
      %dma_start3A_136 = tpu.memref_slice %arg11[%dma_start3A_134, %dma_start3A_135] : memref<1000x32xf32, #tpu.memory_space<hbm>> -> memref<1000x32xf32, #tpu.memory_space<hbm>>
      tpu.enqueue_indirect_dma source(%dma_start3A_136 : memref<1000x32xf32, #tpu.memory_space<hbm>>) target(%arg24 : memref<512x32xf32, #tpu.memory_space<vmem>>) offsets(%arg20 : memref<512xi32, #tpu.memory_space<vmem>>) semaphore(%arg32 : memref<!tpu.dma_semaphore, #tpu.memory_space<semaphore_mem>>)
      %dma_wait3A_137 = arith.constant 0 : i32
      %dma_wait3A_138 = arith.constant 0 : i32
      %dma_wait3A_139 = tpu.memref_slice %arg35[%dma_wait3A_137, %dma_wait3A_138] : memref<4096x32xf32, #tpu.memory_space<vmem_shared>> -> memref<4096x32xf32, #tpu.memory_space<vmem_shared>>
      tpu.wait_indirect_dma semaphore(%arg33 : memref<!tpu.dma_semaphore, #tpu.memory_space<semaphore_mem>>) src(%arg21 : memref<512x32xf32, #tpu.memory_space<vmem>>) dst(%dma_wait3A_139 : memref<4096x32xf32, #tpu.memory_space<vmem_shared>>)
      %dma_wait3A_140 = arith.constant 0 : i32
      %dma_wait3A_141 = arith.constant 0 : i32
      %dma_wait3A_142 = tpu.memref_slice %arg36[%dma_wait3A_140, %dma_wait3A_141] : memref<4096x32xf32, #tpu.memory_space<vmem_shared>> -> memref<4096x32xf32, #tpu.memory_space<vmem_shared>>
      tpu.wait_indirect_dma semaphore(%arg33 : memref<!tpu.dma_semaphore, #tpu.memory_space<semaphore_mem>>) src(%arg23 : memref<512x32xf32, #tpu.memory_space<vmem>>) dst(%dma_wait3A_142 : memref<4096x32xf32, #tpu.memory_space<vmem_shared>>)
      %lt3A = arith.constant 49 : i32
      %lt3A_143 = arith.cmpi slt, %scan3A_60, %lt3A : i32
      %convert_element_type3A_144 = arith.extui %lt3A_143 : i1 to i32
      %cond3A_145 = arith.constant 0 : i32
      %cond3A_146 = arith.cmpi ne, %convert_element_type3A_144, %cond3A_145 : i32
      scf.if %cond3A_146 {
        %add3A_159 = arith.constant 1 : i32
        %add3A_160 = arith.addi %add3A_118, %add3A_159 : i32
        %add3A_161 = arith.constant 1 : i32
        %add3A_162 = arith.addi %add3A_118, %add3A_161 : i32
        %mul3A_163 = arith.constant 512 : i32
        %mul3A_164 = arith.muli %add3A_162, %mul3A_163 : i32
        %add3A_165 = arith.addi %add3A_33, %mul3A_164 : i32
        %dma_start3A_166 = tpu.memref_slice %arg5[%add3A_165] : memref<3276800xi32, #tpu.memory_space<hbm>> -> memref<512xi32, #tpu.memory_space<hbm>>
        %dma_start3A_167 = tpu.memref_slice %arg5[%add3A_165] : memref<3276800xi32, #tpu.memory_space<hbm>> -> memref<512xi32, #tpu.memory_space<hbm>>
        tpu.enqueue_dma source(%dma_start3A_167 : memref<512xi32, #tpu.memory_space<hbm>>) target(%arg17 : memref<512xi32, #tpu.memory_space<vmem>>) target_semaphore(%arg29 : memref<!tpu.dma_semaphore, #tpu.memory_space<semaphore_mem>>)
        %dma_start3A_168 = tpu.memref_slice %arg6[%add3A_165] : memref<3276800xi32, #tpu.memory_space<hbm>> -> memref<512xi32, #tpu.memory_space<hbm>>
        %dma_start3A_169 = tpu.memref_slice %arg6[%add3A_165] : memref<3276800xi32, #tpu.memory_space<hbm>> -> memref<512xi32, #tpu.memory_space<hbm>>
        tpu.enqueue_dma source(%dma_start3A_169 : memref<512xi32, #tpu.memory_space<hbm>>) target(%arg19 : memref<512xi32, #tpu.memory_space<vmem>>) target_semaphore(%arg29 : memref<!tpu.dma_semaphore, #tpu.memory_space<semaphore_mem>>)
        %mul3A_170 = arith.constant 51200 : i32
        %mul3A_171 = arith.muli %arg1, %mul3A_170 : i32
        %mul3A_172 = arith.constant 512 : i32
        %mul3A_173 = arith.muli %add3A_160, %mul3A_172 : i32
        %add3A_174 = arith.addi %mul3A_171, %mul3A_173 : i32
        %dma_start3A_175 = tpu.memref_slice %arg7[%add3A_174] : memref<819200xi32, #tpu.memory_space<hbm>> -> memref<512xi32, #tpu.memory_space<hbm>>
        %dma_start3A_176 = tpu.memref_slice %arg7[%add3A_174] : memref<819200xi32, #tpu.memory_space<hbm>> -> memref<512xi32, #tpu.memory_space<hbm>>
        tpu.enqueue_dma source(%dma_start3A_176 : memref<512xi32, #tpu.memory_space<hbm>>) target(%arg25 : memref<512xi32, #tpu.memory_space<vmem>>) target_semaphore(%arg29 : memref<!tpu.dma_semaphore, #tpu.memory_space<semaphore_mem>>)
      } else {
      }
      %dma_wait3A_147 = arith.constant 0 : i32
      %dma_wait3A_148 = arith.constant 0 : i32
      %dma_wait3A_149 = tpu.memref_slice %arg10[%dma_wait3A_147, %dma_wait3A_148] : memref<1000000x32xf32, #tpu.memory_space<hbm>> -> memref<1000000x32xf32, #tpu.memory_space<hbm>>
      tpu.wait_indirect_dma semaphore(%arg32 : memref<!tpu.dma_semaphore, #tpu.memory_space<semaphore_mem>>) src(%dma_wait3A_149 : memref<1000000x32xf32, #tpu.memory_space<hbm>>) dst(%arg22 : memref<512x32xf32, #tpu.memory_space<vmem>>)
      %dma_wait3A_150 = arith.constant 0 : i32
      %dma_wait3A_151 = arith.constant 0 : i32
      %dma_wait3A_152 = tpu.memref_slice %arg11[%dma_wait3A_150, %dma_wait3A_151] : memref<1000x32xf32, #tpu.memory_space<hbm>> -> memref<1000x32xf32, #tpu.memory_space<hbm>>
      tpu.wait_indirect_dma semaphore(%arg32 : memref<!tpu.dma_semaphore, #tpu.memory_space<semaphore_mem>>) src(%dma_wait3A_152 : memref<1000x32xf32, #tpu.memory_space<hbm>>) dst(%arg24 : memref<512x32xf32, #tpu.memory_space<vmem>>)
      %dma_start3A_153 = arith.constant 0 : i32
      %dma_start3A_154 = arith.constant 0 : i32
      %dma_start3A_155 = tpu.memref_slice %arg35[%dma_start3A_153, %dma_start3A_154] : memref<4096x32xf32, #tpu.memory_space<vmem_shared>> -> memref<4096x32xf32, #tpu.memory_space<vmem_shared>>
      tpu.enqueue_indirect_dma source(%arg22 : memref<512x32xf32, #tpu.memory_space<vmem>>) target(%dma_start3A_155 : memref<4096x32xf32, #tpu.memory_space<vmem_shared>>) offsets(%arg26 : memref<512xi32, #tpu.memory_space<vmem>>) semaphore(%arg34 : memref<!tpu.dma_semaphore, #tpu.memory_space<semaphore_mem>>) {add = true}
      %dma_start3A_156 = arith.constant 0 : i32
      %dma_start3A_157 = arith.constant 0 : i32
      %dma_start3A_158 = tpu.memref_slice %arg36[%dma_start3A_156, %dma_start3A_157] : memref<4096x32xf32, #tpu.memory_space<vmem_shared>> -> memref<4096x32xf32, #tpu.memory_space<vmem_shared>>
      tpu.enqueue_indirect_dma source(%arg24 : memref<512x32xf32, #tpu.memory_space<vmem>>) target(%dma_start3A_158 : memref<4096x32xf32, #tpu.memory_space<vmem_shared>>) offsets(%arg26 : memref<512xi32, #tpu.memory_space<vmem>>) semaphore(%arg34 : memref<!tpu.dma_semaphore, #tpu.memory_space<semaphore_mem>>) {add = true}
    }
    %scan3A_49 = arith.constant 50 : i32
    %dma_wait3A_50 = arith.constant 0 : i32
    %dma_wait3A_51 = arith.constant 0 : i32
    %dma_wait3A_52 = tpu.memref_slice %arg35[%dma_wait3A_50, %dma_wait3A_51] : memref<4096x32xf32, #tpu.memory_space<vmem_shared>> -> memref<4096x32xf32, #tpu.memory_space<vmem_shared>>
    tpu.wait_indirect_dma semaphore(%arg34 : memref<!tpu.dma_semaphore, #tpu.memory_space<semaphore_mem>>) src(%arg22 : memref<512x32xf32, #tpu.memory_space<vmem>>) dst(%dma_wait3A_52 : memref<4096x32xf32, #tpu.memory_space<vmem_shared>>)
    %dma_wait3A_53 = arith.constant 0 : i32
    %dma_wait3A_54 = arith.constant 0 : i32
    %dma_wait3A_55 = tpu.memref_slice %arg36[%dma_wait3A_53, %dma_wait3A_54] : memref<4096x32xf32, #tpu.memory_space<vmem_shared>> -> memref<4096x32xf32, #tpu.memory_space<vmem_shared>>
    tpu.wait_indirect_dma semaphore(%arg34 : memref<!tpu.dma_semaphore, #tpu.memory_space<semaphore_mem>>) src(%arg24 : memref<512x32xf32, #tpu.memory_space<vmem>>) dst(%dma_wait3A_55 : memref<4096x32xf32, #tpu.memory_space<vmem_shared>>)
    %add3A_56 = arith.constant 256 : i32
    %add3A_57 = arith.addi %mul3A_2, %add3A_56 : i32
    "tpu.region"() ({
      %run_scoped3A = tpu.sem_alloc : memref<!tpu.dma_semaphore, #tpu.memory_space<semaphore_mem>>
      %dma_start3A_60 = arith.constant 0 : i32
      %dma_start3A_61 = tpu.memref_slice %arg15[%add3A_57, %dma_start3A_60] : memref<16384x32xf32, #tpu.memory_space<hbm>> -> memref<256x32xf32, #tpu.memory_space<hbm>>
      %dma_start3A_62 = arith.constant 0 : i32
      %dma_start3A_63 = tpu.memref_slice %arg35[%mul3A_4, %dma_start3A_62] : memref<4096x32xf32, #tpu.memory_space<vmem_shared>> -> memref<256x32xf32, #tpu.memory_space<vmem_shared>>
      tpu.enqueue_dma source(%dma_start3A_63 : memref<256x32xf32, #tpu.memory_space<vmem_shared>>) target(%dma_start3A_61 : memref<256x32xf32, #tpu.memory_space<hbm>>) target_semaphore(%run_scoped3A : memref<!tpu.dma_semaphore, #tpu.memory_space<semaphore_mem>>)
      %dma_wait3A_64 = arith.constant 0 : i32
      %dma_wait3A_65 = tpu.memref_slice %arg15[%add3A_57, %dma_wait3A_64] : memref<16384x32xf32, #tpu.memory_space<hbm>> -> memref<256x32xf32, #tpu.memory_space<hbm>>
      %dma_wait3A_66 = arith.constant 0 : i32
      %dma_wait3A_67 = tpu.memref_slice %arg35[%mul3A_4, %dma_wait3A_66] : memref<4096x32xf32, #tpu.memory_space<vmem_shared>> -> memref<256x32xf32, #tpu.memory_space<vmem_shared>>
      tpu.wait_dma2 semaphore(%run_scoped3A : memref<!tpu.dma_semaphore, #tpu.memory_space<semaphore_mem>>) src(%dma_wait3A_67 : memref<256x32xf32, #tpu.memory_space<vmem_shared>>) dst(%dma_wait3A_65 : memref<256x32xf32, #tpu.memory_space<hbm>>)
      tpu.yield
    }) : () -> ()
    %add3A_58 = arith.constant 256 : i32
    %add3A_59 = arith.addi %mul3A_2, %add3A_58 : i32
    "tpu.region"() ({
      %run_scoped3A = tpu.sem_alloc : memref<!tpu.dma_semaphore, #tpu.memory_space<semaphore_mem>>
      %dma_start3A_60 = arith.constant 0 : i32
      %dma_start3A_61 = tpu.memref_slice %arg16[%add3A_59, %dma_start3A_60] : memref<16384x32xf32, #tpu.memory_space<hbm>> -> memref<256x32xf32, #tpu.memory_space<hbm>>
      %dma_start3A_62 = arith.constant 0 : i32
      %dma_start3A_63 = tpu.memref_slice %arg36[%mul3A_4, %dma_start3A_62] : memref<4096x32xf32, #tpu.memory_space<vmem_shared>> -> memref<256x32xf32, #tpu.memory_space<vmem_shared>>
      tpu.enqueue_dma source(%dma_start3A_63 : memref<256x32xf32, #tpu.memory_space<vmem_shared>>) target(%dma_start3A_61 : memref<256x32xf32, #tpu.memory_space<hbm>>) target_semaphore(%run_scoped3A : memref<!tpu.dma_semaphore, #tpu.memory_space<semaphore_mem>>)
      %dma_wait3A_64 = arith.constant 0 : i32
      %dma_wait3A_65 = tpu.memref_slice %arg16[%add3A_59, %dma_wait3A_64] : memref<16384x32xf32, #tpu.memory_space<hbm>> -> memref<256x32xf32, #tpu.memory_space<hbm>>
      %dma_wait3A_66 = arith.constant 0 : i32
      %dma_wait3A_67 = tpu.memref_slice %arg36[%mul3A_4, %dma_wait3A_66] : memref<4096x32xf32, #tpu.memory_space<vmem_shared>> -> memref<256x32xf32, #tpu.memory_space<vmem_shared>>
      tpu.wait_dma2 semaphore(%run_scoped3A : memref<!tpu.dma_semaphore, #tpu.memory_space<semaphore_mem>>) src(%dma_wait3A_67 : memref<256x32xf32, #tpu.memory_space<vmem_shared>>) dst(%dma_wait3A_65 : memref<256x32xf32, #tpu.memory_space<hbm>>)
      tpu.yield
    }) : () -> ()
    return
  }
}

module attributes {stable_mosaic.version = 14 : i64} {
  func.func @_mlp_body(%arg0: i32, %arg1: memref<512x32xf32, #tpu.memory_space<vmem>>, %arg2: memref<512x32xf32, #tpu.memory_space<vmem>>, %arg3: memref<512x32xf32, #tpu.memory_space<vmem>>, %arg4: memref<512x32xf32, #tpu.memory_space<vmem>>, %arg5: memref<512x32xf32, #tpu.memory_space<vmem>>, %arg6: memref<160x200xf32, #tpu.memory_space<vmem>>, %arg7: memref<1x200xf32, #tpu.memory_space<vmem>>, %arg8: memref<200x80xf32, #tpu.memory_space<vmem>>, %arg9: memref<1x80xf32, #tpu.memory_space<vmem>>, %arg10: memref<80x1xf32, #tpu.memory_space<vmem>>, %arg11: memref<1x1xf32, #tpu.memory_space<vmem>>, %arg12: memref<512x1xf32, #tpu.memory_space<vmem>>) attributes {dimension_semantics = [#tpu.dimension_semantics<arbitrary>], iteration_bounds = array<i64: 32>, scalar_prefetch = 0 : i64, scratch_operands = 0 : i64, tpu.core_type = #tpu.core_type<tc>, window_params = [{transform_indices = @transform_0, window_bounds = array<i64: 512, 32>}, {transform_indices = @transform_1, window_bounds = array<i64: 512, 32>}, {transform_indices = @transform_2, window_bounds = array<i64: 512, 32>}, {transform_indices = @transform_3, window_bounds = array<i64: 512, 32>}, {transform_indices = @transform_4, window_bounds = array<i64: 512, 32>}, {pipeline_mode = #tpu.pipeline_mode<synchronous>, transform_indices = @transform_5, window_bounds = array<i64: 160, 200>}, {pipeline_mode = #tpu.pipeline_mode<synchronous>, transform_indices = @transform_6, window_bounds = array<i64: 1, 200>}, {pipeline_mode = #tpu.pipeline_mode<synchronous>, transform_indices = @transform_7, window_bounds = array<i64: 200, 80>}, {pipeline_mode = #tpu.pipeline_mode<synchronous>, transform_indices = @transform_8, window_bounds = array<i64: 1, 80>}, {pipeline_mode = #tpu.pipeline_mode<synchronous>, transform_indices = @transform_9, window_bounds = array<i64: 80, 1>}, {pipeline_mode = #tpu.pipeline_mode<synchronous>, transform_indices = @transform_10, window_bounds = array<i64: 1, 1>}, {transform_indices = @transform_11, window_bounds = array<i64: 512, 1>}]} {
    %get3A = arith.constant 0 : index
    %get3A_0 = arith.constant 0 : index
    %get3A_1 = vector.load %arg1[%get3A, %get3A_0] : memref<512x32xf32, #tpu.memory_space<vmem>>, vector<512x32xf32>
    %get3A_2 = arith.constant 0 : index
    %get3A_3 = arith.constant 0 : index
    %get3A_4 = vector.load %arg2[%get3A_2, %get3A_3] : memref<512x32xf32, #tpu.memory_space<vmem>>, vector<512x32xf32>
    %get3A_5 = arith.constant 0 : index
    %get3A_6 = arith.constant 0 : index
    %get3A_7 = vector.load %arg3[%get3A_5, %get3A_6] : memref<512x32xf32, #tpu.memory_space<vmem>>, vector<512x32xf32>
    %get3A_8 = arith.constant 0 : index
    %get3A_9 = arith.constant 0 : index
    %get3A_10 = vector.load %arg4[%get3A_8, %get3A_9] : memref<512x32xf32, #tpu.memory_space<vmem>>, vector<512x32xf32>
    %get3A_11 = arith.constant 0 : index
    %get3A_12 = arith.constant 0 : index
    %get3A_13 = vector.load %arg5[%get3A_11, %get3A_12] : memref<512x32xf32, #tpu.memory_space<vmem>>, vector<512x32xf32>
    %concatenate3A = tpu.concatenate %get3A_1, %get3A_4, %get3A_7, %get3A_10, %get3A_13 in 1 : vector<512x32xf32>, vector<512x32xf32>, vector<512x32xf32>, vector<512x32xf32>, vector<512x32xf32> -> vector<512x160xf32>
    %get3A_14 = arith.constant 0 : index
    %get3A_15 = arith.constant 0 : index
    %get3A_16 = vector.load %arg6[%get3A_14, %get3A_15] : memref<160x200xf32, #tpu.memory_space<vmem>>, vector<160x200xf32>
    %dot_general3A = arith.constant dense<0.000000e+00> : vector<512x200xf32>
    %dot_general3A_17 = tpu.matmul %concatenate3A, %get3A_16, %dot_general3A {dimension_numbers = #tpu.dot_dimension_numbers<[1], [0], [0], [1], [0, 0, 1, 1], [], []>, transpose_lhs_hint = false} : vector<512x160xf32>, vector<160x200xf32>, vector<512x200xf32> -> vector<512x200xf32>
    %get3A_18 = arith.constant 0 : index
    %get3A_19 = arith.constant 0 : index
    %get3A_20 = vector.load %arg7[%get3A_18, %get3A_19] : memref<1x200xf32, #tpu.memory_space<vmem>>, vector<1x200xf32>
    %add3A = vector.broadcast %get3A_20 : vector<1x200xf32> to vector<512x200xf32>
    %add3A_21 = arith.addf %dot_general3A_17, %add3A : vector<512x200xf32>
    %max3A = arith.constant 0.000000e+00 : f32
    %max3A_22 = vector.broadcast %max3A : f32 to vector<512x200xf32>
    %max3A_23 = arith.maximumf %add3A_21, %max3A_22 : vector<512x200xf32>
    %get3A_24 = arith.constant 0 : index
    %get3A_25 = arith.constant 0 : index
    %get3A_26 = vector.load %arg8[%get3A_24, %get3A_25] : memref<200x80xf32, #tpu.memory_space<vmem>>, vector<200x80xf32>
    %dot_general3A_27 = arith.constant dense<0.000000e+00> : vector<512x80xf32>
    %dot_general3A_28 = tpu.matmul %max3A_23, %get3A_26, %dot_general3A_27 {dimension_numbers = #tpu.dot_dimension_numbers<[1], [0], [0], [1], [0, 0, 1, 1], [], []>, transpose_lhs_hint = false} : vector<512x200xf32>, vector<200x80xf32>, vector<512x80xf32> -> vector<512x80xf32>
    %get3A_29 = arith.constant 0 : index
    %get3A_30 = arith.constant 0 : index
    %get3A_31 = vector.load %arg9[%get3A_29, %get3A_30] : memref<1x80xf32, #tpu.memory_space<vmem>>, vector<1x80xf32>
    %add3A_32 = vector.broadcast %get3A_31 : vector<1x80xf32> to vector<512x80xf32>
    %add3A_33 = arith.addf %dot_general3A_28, %add3A_32 : vector<512x80xf32>
    %max3A_34 = arith.constant 0.000000e+00 : f32
    %max3A_35 = vector.broadcast %max3A_34 : f32 to vector<512x80xf32>
    %max3A_36 = arith.maximumf %add3A_33, %max3A_35 : vector<512x80xf32>
    %get3A_37 = arith.constant 0 : index
    %get3A_38 = arith.constant 0 : index
    %get3A_39 = vector.load %arg10[%get3A_37, %get3A_38] : memref<80x1xf32, #tpu.memory_space<vmem>>, vector<80x1xf32>
    %dot_general3A_40 = arith.constant dense<0.000000e+00> : vector<512x1xf32>
    %dot_general3A_41 = tpu.matmul %max3A_36, %get3A_39, %dot_general3A_40 {dimension_numbers = #tpu.dot_dimension_numbers<[1], [0], [0], [1], [0, 0, 1, 1], [], []>, transpose_lhs_hint = false} : vector<512x80xf32>, vector<80x1xf32>, vector<512x1xf32> -> vector<512x1xf32>
    %get3A_42 = arith.constant 0 : index
    %get3A_43 = arith.constant 0 : index
    %get3A_44 = vector.load %arg11[%get3A_42, %get3A_43] : memref<1x1xf32, #tpu.memory_space<vmem>>, vector<1x1xf32>
    %add3A_45 = vector.broadcast %get3A_44 : vector<1x1xf32> to vector<512x1xf32>
    %add3A_46 = arith.addf %dot_general3A_41, %add3A_45 : vector<512x1xf32>
    %swap3A = arith.constant 0 : index
    %swap3A_47 = arith.constant 0 : index
    %swap3A_48 = vector.load %arg12[%swap3A, %swap3A_47] : memref<512x1xf32, #tpu.memory_space<vmem>>, vector<512x1xf32>
    tpu.vector_store %arg12[%swap3A, %swap3A_47], %add3A_46 {strides = array<i32>} : memref<512x1xf32, #tpu.memory_space<vmem>>, vector<512x1xf32>,
    return
  }
  func.func @transform_0(%arg0: i32) -> (i32, i32) {
    %c0_i32 = arith.constant 0 : i32
    %c0_i32_0 = arith.constant 0 : i32
    return %arg0, %c0_i32 : i32, i32
  }
  func.func @transform_1(%arg0: i32) -> (i32, i32) {
    %c0_i32 = arith.constant 0 : i32
    %c0_i32_0 = arith.constant 0 : i32
    return %arg0, %c0_i32 : i32, i32
  }
  func.func @transform_2(%arg0: i32) -> (i32, i32) {
    %c0_i32 = arith.constant 0 : i32
    %c0_i32_0 = arith.constant 0 : i32
    return %arg0, %c0_i32 : i32, i32
  }
  func.func @transform_3(%arg0: i32) -> (i32, i32) {
    %c0_i32 = arith.constant 0 : i32
    %c0_i32_0 = arith.constant 0 : i32
    return %arg0, %c0_i32 : i32, i32
  }
  func.func @transform_4(%arg0: i32) -> (i32, i32) {
    %c0_i32 = arith.constant 0 : i32
    %c0_i32_0 = arith.constant 0 : i32
    return %arg0, %c0_i32 : i32, i32
  }
  func.func @transform_5(%arg0: i32) -> (i32, i32) {
    %c0_i32 = arith.constant 0 : i32
    %c0_i32_0 = arith.constant 0 : i32
    %c0_i32_1 = arith.constant 0 : i32
    return %c0_i32, %c0_i32_0 : i32, i32
  }
  func.func @transform_6(%arg0: i32) -> (i32, i32) {
    %c0_i32 = arith.constant 0 : i32
    %c0_i32_0 = arith.constant 0 : i32
    %c0_i32_1 = arith.constant 0 : i32
    return %c0_i32, %c0_i32_0 : i32, i32
  }
  func.func @transform_7(%arg0: i32) -> (i32, i32) {
    %c0_i32 = arith.constant 0 : i32
    %c0_i32_0 = arith.constant 0 : i32
    %c0_i32_1 = arith.constant 0 : i32
    return %c0_i32, %c0_i32_0 : i32, i32
  }
  func.func @transform_8(%arg0: i32) -> (i32, i32) {
    %c0_i32 = arith.constant 0 : i32
    %c0_i32_0 = arith.constant 0 : i32
    %c0_i32_1 = arith.constant 0 : i32
    return %c0_i32, %c0_i32_0 : i32, i32
  }
  func.func @transform_9(%arg0: i32) -> (i32, i32) {
    %c0_i32 = arith.constant 0 : i32
    %c0_i32_0 = arith.constant 0 : i32
    %c0_i32_1 = arith.constant 0 : i32
    return %c0_i32, %c0_i32_0 : i32, i32
  }
  func.func @transform_10(%arg0: i32) -> (i32, i32) {
    %c0_i32 = arith.constant 0 : i32
    %c0_i32_0 = arith.constant 0 : i32
    %c0_i32_1 = arith.constant 0 : i32
    return %c0_i32, %c0_i32_0 : i32, i32
  }
  func.func @transform_11(%arg0: i32) -> (i32, i32) {
    %c0_i32 = arith.constant 0 : i32
    %c0_i32_0 = arith.constant 0 : i32
    return %arg0, %c0_i32 : i32, i32
  }
}

</mosaic_0001>

<sc_bundles>
// kernel: kernel.4.cloned.1.call-start
scs
__scs_entry_jumppad:
0x0: {  	(pc) =	sbr.rel $0x88, $3  }
0x1: {  	(tag) =	ssettag $0x0;
	lr =	simm.s32 $0x1  }
0x2: {  	[smem:$0x3F93] =	sst lr;
	_ =	strace $0xD0000000  }
0x3: {  	_ = 	snop  }
0x4: {  	_ = 	snop  }
0x5: {  	_ = 	snop  }
0x6: {  	_ = 	snop  }
0x7: {  	_ = 	snop  }
__scs_overlays_trampoline_lowered:
0x8: {  	[smem:$0x3FA2] =	sst s0  }
0x9: {  	[smem:$0x3FA3] =	sst s1  }
0xa: {  	[smem:$0x3FA4] =	sst s2  }
0xb: {  	[smem:$0x3FA5] =	sst s3  }
0xc: {  	[smem:$0x3FA6] =	sst s4  }
0xd: {  	[smem:$0x3FA7] =	sst s5  }
0xe: {  	[smem:$0x3FA8] =	sst s6  }
0xf: {  	[smem:$0x3FA9] =	sst s7  }
0x10: {  	[smem:$0x3FAA] =	sst s8  }
0x11: {  	[smem:$0x3FAB] =	sst s9;
	s0 =	simm.s32 @!p0 $0x0  }
0x12: {  	s1 =	sld [smem:$0x3F91];
	s0 =	simm.s32 @p0 $0x1  }
0x13: {  	[smem:$0x3FAC] =	sst s0;
	s0 =	simm.s32 @!p1 $0x0  }
0x14: {  	s2 =	sld [smem:$0x3F90];
	s0 =	simm.s32 @p1 $0x1  }
0x15: {  	[smem:$0x3FAD] =	sst s0;
	s0 =	simm.s32 @!p2 $0x0  }
0x16: {  	s3 =	sld [smem:$0x3FDB];
	s0 =	simm.s32 @p2 $0x1  }
0x17: {  	s4 =	simm.s32 $0x1BF5;
	[smem:$0x3FAF] =	sst s0  }
0x18: {  	s0 =	sld [smem:$0x3F92];
	_ =	swait.ge [sflag:s4], $0x0  }
0x19: {  	s7 =	sld [smem:$0x3F93]  }
0x1a: {  	s8 =	sadd.s32 $0xFFFFE003, lr  }
0x1b: {  	s9 =	sadd.s32 $0xFFFFFEF7, lr;
	s5 =	simm.s32 $0xFFFFFFFF;
	p2 =	slt.u32 s8, $0xFFFFF086  }
0x1c: {  	p1 =	slt.u32 s9, $0xF7A;
	s5 =	simm.s32 @!p2 $0x0  }
0x1d: {  	s5 =	simm.s32 @p1 $0x1;
	p0 =	seq.s32 s7, s2  }
0x1e: {  	s7 =	smul.u32 @!p0 $0xF7A, s2;
	p2 =	seq.s32 @!p0 s5, $0x0  }
0x1f: {  	s9 =	smul.u32 $0xF7A, s1;
	s8 =	simm.s32 @!p0 $0x1BF5;
	p2 =	por !p2, p0  }
0x20: {  	[sflag:s8] =	ssyncset.s32 @!p0 $0xFFFFF086;
	s6 =	sadd.s32 @!p0 s3, s7;
	s7 =	simm.s32 @!p0 $0x108  }
0x21: {  	s3 =	sadd.s32 s3, s9;
	s6 =	sadd.s32 @!p0 $0x88, s6;
	s7 =	simm.s32 @p2 $0x1082  }
0x22: {  	[simem:s7], [sflag:s8] =	dma.local @!p0 [hbm:s6], $0xF7A  }
0x23: {  	s9 =	sor.u32 $0xD0000000, s2;
	s6 =	simm.s32 $0x108;
	_ =	swait.ge @!p0 [sflag:s8], $0x0  }
0x24: {  	s3 =	sadd.s32 $0x88, s3;
	s6 =	simm.s32 @!p1 $0x1082;
	[sflag:s4] =	ssyncset.s32 $0xFFFFF086  }
0x25: {  	[simem:s6], [sflag:s4] =	dma.local [hbm:s3], $0xF7A  }
0x26: {  	[smem:$0x3F93] =	sst s1;
	(tag) =	ssettag s2;
	_ =	strace s9  }
0x27: {  	s1 =	sld [smem:$0x3FA3]  }
0x28: {  	s2 =	sld [smem:$0x3FA4]  }
0x29: {  	s4 =	sld [smem:$0x3FA6]  }
0x2a: {  	p0 =	seq.s32 s5, $0x0;
	s5 =	sld [smem:$0x3FA7]  }
0x2b: {  	s6 =	sld [smem:$0x3FA8]  }
0x2c: {  	s7 =	sld [smem:$0x3FA9]  }
0x2d: {  	s3 =	simm.s32 $0x108;
	s8 =	sld [smem:$0x3FAA]  }
0x2e: {  	s3 =	simm.s32 @!p0 $0x1082;
	s9 =	sld [smem:$0x3FAB]  }
0x2f: {  	lr =	sadd.s32 s0, s3;
	s0 =	sld [smem:$0x3FA2]  }
0x30: {  	s3 =	sld [smem:$0x3FA5]  }
0x31: {  	[smem:$0x3FAE] =	sst s10  }
0x32: {  	s10 =	sld [smem:$0x3FAC];
	_ =	sdelay $0x3  }
0x33: {  	p0 =	seq.s32 s10, $0x1;
	s10 =	sld [smem:$0x3FAE];
	_ =	sdelay $0x3  }
0x34: {  	[smem:$0x3FAE] =	sst s10  }
0x35: {  	s10 =	sld [smem:$0x3FAD];
	_ =	sdelay $0x3  }
0x36: {  	p1 =	seq.s32 s10, $0x1;
	s10 =	sld [smem:$0x3FAE];
	_ =	sdelay $0x3  }
0x37: {  	[smem:$0x3FAE] =	sst s10  }
0x38: {  	s10 =	sld [smem:$0x3FAF]  }
0x39: {  	_ = 	snop;
	(pc) =	sbr.ind lr, $3  }
0x3a: {  	_ = 	snop  }
0x3b: {  	_ = 	snop  }
0x3c: {  	p2 =	seq.s32 s10, $0x1;
	s10 =	sld [smem:$0x3FAE]  }
0x3d: {  	_ =	shalt  }
0x3e: {  	_ =	shalt  }
0x3f: {  	_ =	shalt  }
0x40: {  	_ =	shalt  }
0x41: {  	_ =	shalt  }
0x42: {  	_ =	shalt  }
0x43: {  	_ =	shalt  }
0x44: {  	_ =	shalt  }
0x45: {  	_ =	shalt  }
0x46: {  	_ =	shalt  }
0x47: {  	_ =	shalt  }
0x48: {  	_ =	shalt  }
0x49: {  	_ =	shalt  }
0x4a: {  	_ =	shalt  }
0x4b: {  	_ =	shalt  }
0x4c: {  	_ =	shalt  }
0x4d: {  	_ =	shalt  }
0x4e: {  	_ =	shalt  }
0x4f: {  	_ =	shalt  }
0x50: {  	_ =	shalt  }
0x51: {  	_ =	shalt  }
0x52: {  	_ =	shalt  }
0x53: {  	_ =	shalt  }
0x54: {  	_ =	shalt  }
0x55: {  	_ =	shalt  }
0x56: {  	_ =	shalt  }
0x57: {  	_ =	shalt  }
0x58: {  	_ =	shalt  }
0x59: {  	_ =	shalt  }
0x5a: {  	_ =	shalt  }
0x5b: {  	_ =	shalt  }
0x5c: {  	_ =	shalt  }
0x5d: {  	_ =	shalt  }
0x5e: {  	_ =	shalt  }
0x5f: {  	_ =	shalt  }
0x60: {  	_ =	shalt  }
0x61: {  	_ =	shalt  }
0x62: {  	_ =	shalt  }
0x63: {  	_ =	shalt  }
0x64: {  	_ =	shalt  }
0x65: {  	_ =	shalt  }
0x66: {  	_ =	shalt  }
0x67: {  	_ =	shalt  }
0x68: {  	_ =	shalt  }
0x69: {  	_ =	shalt  }
0x6a: {  	_ =	shalt  }
0x6b: {  	_ =	shalt  }
0x6c: {  	_ =	shalt  }
0x6d: {  	_ =	shalt  }
0x6e: {  	_ =	shalt  }
0x6f: {  	_ =	shalt  }
0x70: {  	_ =	shalt  }
0x71: {  	_ =	shalt  }
0x72: {  	_ =	shalt  }
0x73: {  	_ =	shalt  }
0x74: {  	_ =	shalt  }
0x75: {  	_ =	shalt  }
0x76: {  	_ =	shalt  }
0x77: {  	_ =	shalt  }
0x78: {  	_ =	shalt  }
0x79: {  	_ =	shalt  }
0x7a: {  	_ =	shalt  }
0x7b: {  	_ =	shalt  }
0x7c: {  	_ =	shalt  }
0x7d: {  	_ =	shalt  }
0x7e: {  	_ =	shalt  }
0x7f: {  	_ =	shalt  }
0x80: {  	_ =	shalt  }
0x81: {  	_ =	shalt  }
0x82: {  	_ =	shalt  }
0x83: {  	_ =	shalt  }
0x84: {  	_ =	shalt  }
0x85: {  	_ =	shalt  }
0x86: {  	_ =	shalt  }
0x87: {  	_ =	shalt  }
.Lfunc_end0:
.L_simem_size_0:
called_computation_lowered:
.L_overlay_start_0:
0x88: {  	s2 =	sld [smem:$0x3FD9]  }
0x89: {  	s3 =	sld [smem:$0x3FFE];
	_ =	sdelay $0x1  }
0x8a: {  	s1 =	srdreg.scid  }
0x8b: {  	s0 =	sand.u32 $0x1, s1  }
0x8c: {  	s17 =	sshll.u32 s0, $0xA;
	s2 =	sadd.s32 s3, s2  }
0x8d: {  	s2 =	sadd.s32 s2, s17  }
0x8e: {  	[smem:$0x3FBA] =	sst s2  }
0x8f: {  	_ = 	snop  }
0x90: {  	s2 =	sld [smem:$0x3FC9]  }
0x91: {  	s18 =	sld [smem:$0x3FC8]  }
0x92: {  	s4 =	sld [smem:$0x3FC6]  }
0x93: {  	s5 =	sld [smem:$0x3FD0];
	(tm) =	ssettm $0x1  }
0x94: {  	s6 =	sld [smem:$0x3FFB];
	_ =	sdelay $0x3  }
0x95: {  	_ =	strace s6  }
0x96: {  	s6 =	sld [smem:$0x3FFC];
	_ =	sdelay $0x3  }
0x97: {  	_ =	strace s6  }
0x98: {  	s6 =	sld [smem:$0x3FFD];
	_ =	sdelay $0x3  }
0x99: {  	_ =	strace s6  }
0x9a: {  	_ =	strace $0x8FFFFFFF  }
0x9b: {  	s19 =	sld [smem:$0x3FDB];
	_ =	sdelay $0x1  }
0x9c: {  	s7 =	simm.s32 $_scs_section_size  }
0x9d: {  	s8 =	simm.s32 $_size__tile_overlayer_lowered;
	s9 =	simm.s32 $_tile_overlayer_lowered  }
0x9e: {  	s22 =	simm.s32 $0x1BFF;
	s21 =	sshll.u32 s9, $0x1;
	s6 =	sadd.s32 s7, s19  }
0x9f: {  	s10 =	simm.s32 $0x0;
	s20 =	sshll.u32 s8, $0x1;
	s8 =	sadd.s32 s21, s6  }
0xa0: {  	[timem:s10], [sflag:s22] =	dma.local [hbm:s8], s20  }
0xa1: {  	_ =	swait.ge [sflag:s22], s20  }
0xa2: {  	s7 =	ssub.s32 $0x0, s20;
	[sflag:s22] =	ssyncset.done $0x0  }
0xa3: {  	[sflag:s22] =	ssyncadd.s32 s7;
	_ =	sdelay $0x1  }
0xa4: {  	s23 =	simm.s32 $0x1B8B  }
0xa5: {  	_ =	swait.ge [sflag:s23], $0x1  }
0xa6: {  	[sflag:s23] =	ssyncset.done $0x0  }
0xa7: {  	s25 =	simm.s32 $0x1B8E;
	s24 =	sld [smem:$0x3FFE];
	[sflag:s23] =	ssyncadd.s32 $0xFFFFFFFF  }
0xa8: {  	s26 =	simm.s32 $execute0_lowered;
	[smem:$0x3FD2] =	sst s25  }
0xa9: {  	s8 =	sshll.u32 s26, $0x1;
	_ =	strace $0x80000046;
	[dreg:$0x1] =	wrdreg $0xFFFFFFFF  }
0xaa: {  	s28 =	simm.s32 $_size_execute0_lowered;
	s6 =	sadd.s32 s6, s8;
	[dreg:$0x0] =	wrdreg $0x0  }
0xab: {  	s8 =	sshll.u32 s28, $0x1;
	[dreg:$0x2] =	wrdreg s6  }
0xac: {  	[dreg:$0x3] =	wrdreg s8  }
0xad: {  	[dreg:$0x4] =	wrdreg $0xC0  }
0xae: {  	_ =	task [dreg:s10], $0x5FFFF  }
0xaf: {  	[dreg:$0x1] =	wrdreg $0xFFFFFFFF  }
0xb0: {  	[dreg:$0x0] =	wrdreg $0x60  }
0xb1: {  	[dreg:$0x2] =	wrdreg s2  }
0xb2: {  	[dreg:$0x3] =	wrdreg s18  }
0xb3: {  	[dreg:$0x4] =	wrdreg s4  }
0xb4: {  	[dreg:$0x5] =	wrdreg s24  }
0xb5: {  	[dreg:$0x6] =	wrdreg s5  }
0xb6: {  	[dreg:$0x7] =	wrdreg $0x14E000  }
0xb7: {  	[dreg:$0x8] =	wrdreg $0x16E000  }
0xb8: {  	[dreg:$0x9] =	wrdreg $0x9  }
0xb9: {  	_ =	task.clear_ibuf [dreg:s10], $0xAFFFF;
	_ =	strace $0x90000046  }
0xba: {  	s29 =	simm.s32 $0x9;
	_ =	strace $0x80000048  }
0xbb: {  	_ =	swait.ge [sflag:s29], $0x1  }
0xbc: {  	[sflag:s29] =	ssyncadd.s32 $0xFFFFFFFF  }
0xbd: {  	_ =	strace $0x90000048  }
0xbe: {  	_ =	sfence  }
0xbf: {  	s30 =	sld [smem:$0x0];
	_ =	sdelay $0x2  }
0xc0: {  	s31 =	sshll.u32 s1, $0xD;
	s1 =	sshrl.u32 s1, $0x2  }
0xc1: {  	s3 =	sand.u32 $0x4000, s31;
	s1 =	sadd.s32 s1, s30  }
0xc2: {  	s0 =	sor.u32 s3, s0;
	s1 =	sshll.u32 s1, $0x11  }
0xc3: {  	s0 =	sor.u32 s1, s0  }
0xc4: {  	s0 =	sadd.s32 $0x8F2B, s0  }
0xc5: {  	[sflag:s0] =	ssyncadd.remote.s32 $0x1  }
0xc6: {  	_ =	sfence.sel $0xFFFF  }
0xc7: {  	[dreg:$0x0] =	wrdreg $0xFFFFFFFF;
	(pc) =	sbr.abs _section_cstart, $3  }
0xc8: {  	[dreg:$0x1] =	wrdreg $0xFFFFFFFF  }
0xc9: {  	_ =	task.clear_ibuf [dreg:s10], $0x2FFFF;
	_ =	strace $0x9FFFFFFF  }
0xca: {  	(tm) =	ssettm $0x7FFFFFFF  }
0xcb: {  	_ =	shalt  }
tec
execute0_lowered:
.L_overlay_start_1:
0x0: {  	(tag) =	ssettag $0x1  }
0x1: {  	s0 =	rddreg [dreg:$0x0]  }
0x2: {  	s1 =	rddreg [dreg:$0x1]  }
0x3: {  	s4 =	rddreg [dreg:$0x2]  }
0x4: {  	s6 =	rddreg [dreg:$0x3]  }
0x5: {  	s2 =	rddreg [dreg:$0x5]  }
0x6: {  	s3 =	rddreg [dreg:$0x6];
	s5 =	simm.s32 $0x0  }
0x7: {  	s7 =	srdreg.scid;
	s20 =	stileid.u32;
	s30 =	simm.s32 $0x7  }
0x8: {  	s31 =	simm.s32 $0x200;
	[smem:$0x7FF] =	sst s5;
	s8 =	sadd.s32 $0x80A000, s6  }
0x9: {  	s9 =	sand.u32 $0x1, s7;
	s24 =	sshll.u32 s20, $0x1;
	s10 =	sadd.s32 $0x7A6000, s6  }
0xa: {  	s12 =	sadd.s32 $0x86E000, s6;
	s25 =	sadd.s32 $0x3D5600, s6;
	s7 =	sadd.s32 $0x4C00, s6  }
0xb: {  	s15 =	sadd.s32 $0x897000, s6;
	s16 =	smul.u32 $0xC800, s20;
	s17 =	sadd.s32 $0x887000, s6  }
0xc: {  	s19 =	smul.u32 $0x32000, s20;
	_ =	strace $0x80000047;
	s13 =	sor.u32 s9, s24  }
0xd: {  	[dreg:$0x10] =	wrdreg s25;
	s11 =	ssub.s32 $0x2, s9;
	s9 =	smul.u32 $0x19000, s9  }
0xe: {  	s14 =	sshll.u32 s13, $0xB;
	s18 =	sshrl.u32 s11, $0x1;
	s26 =	sshll.u32 s13, $0x6  }
0xf: {  	s29 =	sshrl.u32 s16, $0x3;
	s18 =	ssub.s32 s11, s18;
	s0 =	sadd.s32 s0, s26  }
0x10: {  	s28 =	sadd.s32 s1, s26;
	s11 =	sadd.s32 s4, s26;
	[dreg:$0x11] =	wrdreg s0  }
0x11: {  	s16 =	sor.u32 $0x400, s14;
	s21 =	sadd.s32 s15, s14;
	[dreg:$0x12] =	wrdreg s28  }
0x12: {  	s24 =	sadd.s32 s17, s14;
	s26 =	sadd.s32 s14, s6;
	[dreg:$0x13] =	wrdreg s11  }
0x13: {  	s4 =	simm.s32 $0x400;
	s0 =	sadd.s32 s12, s29;
	[dreg:$0x15] =	wrdreg s21  }
0x14: {  	s22 =	sadd.s32 s15, s16;
	s1 =	sadd.s32 s17, s16;
	[dreg:$0x18] =	wrdreg s24  }
0x15: {  	s28 =	smul.u32 $0x19000, s13;
	s17 =	sadd.s32 $0x3200, s6;
	[dreg:$0x14] =	wrdreg s0  }
0x16: {  	s24 =	sshll.u32 s20, $0xD;
	s0 =	sadd.s32 s9, s19;
	[dreg:$0x16] =	wrdreg s22  }
0x17: {  	s19 =	smul.u32 $0x1900, s20;
	[dreg:$0x17] =	wrdreg s1;
	s9 =	sor.u32 $0x200, s0  }
0x18: {  	s25 =	sor.u32 $0x400, s0;
	s11 =	sshrl.u32 s28, $0x3;
	s28 =	sadd.s32 s24, s2  }
0x19: {  	s9 =	sshrl.u32 s9, $0x3;
	s14 =	sadd.s32 s8, s11;
	[smem:$0x7FB] =	sst s28  }
0x1a: {  	s15 =	sadd.s32 s19, s12;
	s19 =	sadd.s32 s10, s11;
	[dreg:$0x19] =	wrdreg s14  }
0x1b: {  	s1 =	sshrl.u32 s25, $0x3;
	s25 =	sadd.s32 $0x8B7000, s26;
	[dreg:$0x1a] =	wrdreg s19  }
0x1c: {  	s20 =	simm.s32 $0x5;
	s23 =	sadd.s32 s9, s10;
	[dreg:$0x1e] =	wrdreg s25  }
0x1d: {  	s21 =	sadd.s32 $0x1900, s11;
	s9 =	sadd.s32 s9, s8;
	[dreg:$0x8] =	wrdreg s23  }
0x1e: {  	s29 =	sadd.s32 s1, s10;
	s1 =	sadd.s32 s1, s8;
	[dreg:$0x9] =	wrdreg s9  }
0x1f: {  	s22 =	sadd.s32 s10, s21;
	s14 =	simm.s32 $0x3;
	[dreg:$0xa] =	wrdreg s29  }
0x20: {  	s19 =	simm.s32 $0xC800;
	s9 =	sadd.s32 $0xCA00, s0;
	[dreg:$0xb] =	wrdreg s1  }
0x21: {  	s0 =	sadd.s32 $0xCC00, s0;
	[dreg:$0x1b] =	wrdreg s22;
	s1 =	sadd.s32 s8, s21  }
0x22: {  	s23 =	sadd.s32 $0x8C7000, s26;
	s26 =	sadd.s32 $0x8A7000, s26;
	[dreg:$0x1c] =	wrdreg s1  }
0x23: {  	s29 =	smax.u32 s18, $0x1;
	s18 =	simm.s32 $0x4800;
	[dreg:$0x1d] =	wrdreg s23  }
0x24: {  	s21 =	simm.s32 $0x4;
	s22 =	simm.s32 $0x6;
	[dreg:$0x1f] =	wrdreg s26  }
0x25: {  	s6 =	sshrl.u32 s9, $0x3;
	s0 =	sshrl.u32 s0, $0x3;
	[smem:$0x7FD] =	sst s29  }
0x26: {  	s9 =	simm.s32 $0x800;
	s23 =	simm.s32 $0x0;
	s12 =	sadd.s32 s6, s10  }
0x27: {  	s13 =	sadd.s32 s6, s8;
	s16 =	sadd.s32 s0, s10;
	[dreg:$0xc] =	wrdreg s12  }
0x28: {  	s0 =	sadd.s32 s0, s8;
	s6 =	simm.s32 $0x10800;
	[dreg:$0xd] =	wrdreg s13  }
0x29: {  	s8 =	simm.s32 $0x1;
	s10 =	simm.s32 $0x8800;
	[dreg:$0xe] =	wrdreg s16  }
0x2a: {  	[dreg:$0xf] =	wrdreg s0;
	s0 =	sadd.s32 s24, s3;
	s12 =	simm.s32 $0x600  }
0x2b: {  	s13 =	simm.s32 $0x10A00;
	s16 =	simm.s32 $0x2;
	[smem:$0x7FC] =	sst s0  }
.LBB2_1:
0x2c: {  	s0 =	rddreg [dreg:$0x11];
	s1 =	simm.s32 $0x10C00  }
0x2d: {  	[tilespmem:s1], [sflag:$0x7] =	stream.linear.gather [hbm4b:s0+s5], $0x200, $0x38;
	[tilespmem:$0x18E00] =	vst v63  }
0x2e: {  	_ =	swait.ge [sflag:s30], $0x200  }
0x2f: {  	[sflag:s30] =	ssyncset.done $0x0  }
0x30: {  	s11 =	simm.s32 $0x10E00;
	s25 =	rddreg [dreg:$0x10];
	[sflag:s30] =	ssyncadd.s32 $0xFFFFFE00  }
0x31: {  	[tilespmem:s11], [sflag:$0x7] =	stream.indirect.gather [hbm4b:s25+s31], $0x20, s1, s31, $0xb8;
	[tilespmem:$0x18E00] =	vst v63  }
0x32: {  	_ =	swait.ge [sflag:s30], $0x4000  }
0x33: {  	[sflag:s30] =	ssyncset.done $0x0  }
0x34: {  	s26 =	rddreg [dreg:$0x1d];
	[sflag:s30] =	ssyncadd.s32 $0xFFFFC000  }
0x35: {  	[hbm4b:s26+s5] =	stream.linear.scatter [tilespmem:s11], [sflag:$0x7], $0x4000, $0x38;
	[tilespmem:$0x18E00] =	vst v63  }
0x36: {  	_ =	swait.ge [sflag:s30], $0x4000  }
0x37: {  	[sflag:s30] =	ssyncset.done $0x0  }
0x38: {  	s29 =	rddreg [dreg:$0x12];
	[sflag:s30] =	ssyncadd.s32 $0xFFFFC000  }
0x39: {  	[tilespmem:s1], [sflag:$0x7] =	stream.linear.gather [hbm4b:s29+s5], $0x200, $0x38;
	[tilespmem:$0x18E00] =	vst v63  }
0x3a: {  	_ =	swait.ge [sflag:s30], $0x200  }
0x3b: {  	[sflag:s30] =	ssyncset.done $0x0  }
0x3c: {  	[sflag:s30] =	ssyncadd.s32 $0xFFFFFE00  }
0x3d: {  	[tilespmem:s11], [sflag:$0x7] =	stream.indirect.gather [hbm4b:s7+s31], $0x20, s1, s31, $0xb8;
	[tilespmem:$0x18E00] =	vst v63  }
0x3e: {  	_ =	swait.ge [sflag:s30], $0x4000  }
0x3f: {  	[sflag:s30] =	ssyncset.done $0x0  }
0x40: {  	s24 =	rddreg [dreg:$0x1e];
	[sflag:s30] =	ssyncadd.s32 $0xFFFFC000  }
0x41: {  	[hbm4b:s24+s5] =	stream.linear.scatter [tilespmem:s11], [sflag:$0x7], $0x4000, $0x38;
	[tilespmem:$0x18E00] =	vst v63  }
0x42: {  	_ =	swait.ge [sflag:s30], $0x4000  }
0x43: {  	[sflag:s30] =	ssyncset.done $0x0  }
0x44: {  	s25 =	rddreg [dreg:$0x13];
	[sflag:s30] =	ssyncadd.s32 $0xFFFFC000  }
0x45: {  	[tilespmem:s1], [sflag:$0x7] =	stream.linear.gather [hbm4b:s25+s5], $0x200, $0x38;
	[tilespmem:$0x18E00] =	vst v63  }
0x46: {  	_ =	swait.ge [sflag:s30], $0x200  }
0x47: {  	[sflag:s30] =	ssyncset.done $0x0  }
0x48: {  	[sflag:s30] =	ssyncadd.s32 $0xFFFFFE00  }
0x49: {  	[tilespmem:s11], [sflag:$0x7] =	stream.indirect.gather [hbm4b:s17+s31], $0x20, s1, s31, $0xb8;
	[tilespmem:$0x18E00] =	vst v63  }
0x4a: {  	_ =	swait.ge [sflag:s30], $0x4000  }
0x4b: {  	[sflag:s30] =	ssyncset.done $0x0  }
0x4c: {  	s26 =	rddreg [dreg:$0x1f];
	[sflag:s30] =	ssyncadd.s32 $0xFFFFC000  }
0x4d: {  	[hbm4b:s26+s5] =	stream.linear.scatter [tilespmem:s11], [sflag:$0x7], $0x4000, $0x38;
	[tilespmem:$0x18E00] =	vst v63  }
0x4e: {  	_ =	swait.ge [sflag:s30], $0x4000  }
0x4f: {  	s1 =	sld [smem:$0x7FB]  }
0x50: {  	[sflag:s30] =	ssyncset.done $0x0  }
0x51: {  	s29 =	stileid.u32;
	[sflag:s30] =	ssyncadd.s32 $0xFFFFC000  }
0x52: {  	s0 =	sshll.u32 s29, $0x6;
	s25 =	rddreg [dreg:$0x4];
	s11 =	sshrl.u32 s1, $0x3  }
0x53: {  	s24 =	sor.u32 $0x1C07, s0;
	[smem:$0x7FA] =	sst s11  }
0x54: {  	[spmem:s11], [sflag:s24] =	dma.local [hbm:s25], $0x400  }
0x55: {  	_ =	swait.ge [sflag:s30], $0x400  }
0x56: {  	s29 =	sld [smem:$0x7FC];
	_ =	sdelay $0x1  }
0x57: {  	[sflag:s30] =	ssyncset.done $0x0  }
0x58: {  	[sflag:s30] =	ssyncadd.s32 $0xFFFFFC00;
	s26 =	sshrl.u32 s29, $0x3  }
0x59: {  	[spmem:s26], [sflag:s24] =	dma.local [hbm:s25], $0x400  }
0x5a: {  	_ =	swait.ge [sflag:s30], $0x400  }
0x5b: {  	[sflag:s30] =	ssyncset.done $0x0  }
0x5c: {  	s1 =	rddreg [dreg:$0x19];
	[sflag:s30] =	ssyncadd.s32 $0xFFFFFC00  }
0x5d: {  	[tilespmem:s5], [sflag:$0x1] =	stream.linear.gather [hbm4b:s1+s5], $0x200, $0x38;
	[tilespmem:$0x18E00] =	vst v63  }
0x5e: {  	s11 =	rddreg [dreg:$0x1a]  }
0x5f: {  	[tilespmem:s4], [sflag:$0x1] =	stream.linear.gather [hbm4b:s11+s5], $0x200, $0x38;
	[tilespmem:$0x18E00] =	vst v63  }
0x60: {  	s25 =	rddreg [dreg:$0x14]  }
0x61: {  	[tilespmem:s6], [sflag:$0x1] =	stream.linear.gather [hbm4b:s25+s5], $0x200, $0x38;
	[tilespmem:$0x18E00] =	vst v63  }
0x62: {  	_ =	swait.ge [sflag:s8], $0x200  }
0x63: {  	[sflag:s8] =	ssyncset.done $0x0  }
0x64: {  	[sflag:s8] =	ssyncadd.s32 $0xFFFFFE00  }
0x65: {  	_ =	swait.ge [sflag:s8], $0x200  }
0x66: {  	[sflag:s8] =	ssyncset.done $0x0  }
0x67: {  	[sflag:s8] =	ssyncadd.s32 $0xFFFFFE00  }
0x68: {  	_ =	swait.ge [sflag:s8], $0x200  }
0x69: {  	[sflag:s8] =	ssyncset.done $0x0  }
0x6a: {  	p0 =	por $0x1, $0x1;
	[sflag:s8] =	ssyncadd.s32 $0xFFFFFE00  }
0x6b: {  	[tilespmem:s9], [sflag:$0x3] =	stream.indirect.gather [hbm4b:s7+s31], $0x20, s5, s31, $0xb8;
	[tilespmem:$0x18E00] =	vst v63  }
0x6c: {  	s1 =	simm.s32 @!p0 $0x6  }
0x6d: {  	[tilespmem:s10], [sflag:$0x3] =	stream.indirect.gather [hbm4b:s17+s31], $0x20, s4, s31, $0xb8;
	[tilespmem:$0x18E00] =	vst v63  }
0x6e: {  	_ =	swait.ge @!p0 [sflag:s1], $0x4000  }
0x6f: {  	[sflag:s1] =	ssyncset.done @!p0 $0x0  }
0x70: {  	[sflag:s1] =	ssyncadd.s32 @!p0 $0xFFFFC000  }
0x71: {  	_ =	swait.ge @!p0 [sflag:s1], $0x4000  }
0x72: {  	s28 =	rddreg [dreg:$0x9];
	[sflag:s1] =	ssyncset.done @!p0 $0x0  }
0x73: {  	s29 =	rddreg [dreg:$0x8];
	[sflag:s1] =	ssyncadd.s32 @!p0 $0xFFFFC000;
	s0 =	sadd.s32 $0x0, s28  }
0x74: {  	[tilespmem:s31], [sflag:$0x2] =	stream.linear.gather [hbm4b:s0+s5], $0x200, $0x38;
	[tilespmem:$0x18E00] =	vst v63  }
0x75: {  	s25 =	sadd.s32 $0x0, s15;
	s11 =	sadd.s32 $0x0, s29  }
0x76: {  	[tilespmem:s12], [sflag:$0x2] =	stream.linear.gather [hbm4b:s11+s5], $0x200, $0x38;
	[tilespmem:$0x18E00] =	vst v63  }
0x77: {  	s29 =	sadd.s32 $0x40, s25  }
0x78: {  	[tilespmem:s13], [sflag:$0x2] =	stream.linear.gather [hbm4b:s29+s5], $0x200, $0x38;
	[tilespmem:$0x18E00] =	vst v63  }
0x79: {  	_ =	swait.ge [sflag:s14], $0x4000  }
0x7a: {  	[sflag:s14] =	ssyncset.done $0x0  }
0x7b: {  	[sflag:s14] =	ssyncadd.s32 $0xFFFFC000  }
0x7c: {  	_ =	swait.ge [sflag:s14], $0x4000  }
0x7d: {  	[sflag:s14] =	ssyncset.done $0x0  }
0x7e: {  	[sflag:s14] =	ssyncadd.s32 $0xFFFFC000  }
0x7f: {  	[spmem:s2] =	stream.indirect.scatter.add.f32 [tilespmem:s9], [sflag:$0x5], $0x20, s6, s31, $0xb8;
	[tilespmem:$0x18E00] =	vst v63  }
0x80: {  	_ = 	snop  }
0x81: {  	[spmem:s3] =	stream.indirect.scatter.add.f32 [tilespmem:s10], [sflag:$0x5], $0x20, s6, s31, $0xb8;
	[tilespmem:$0x18E00] =	vst v63  }
0x82: {  	_ =	swait.ge [sflag:s16], $0x200  }
0x83: {  	[sflag:s16] =	ssyncset.done $0x0  }
0x84: {  	[sflag:s16] =	ssyncadd.s32 $0xFFFFFE00  }
0x85: {  	_ =	swait.ge [sflag:s16], $0x200  }
0x86: {  	[sflag:s16] =	ssyncset.done $0x0  }
0x87: {  	[sflag:s16] =	ssyncadd.s32 $0xFFFFFE00  }
0x88: {  	_ =	swait.ge [sflag:s16], $0x200  }
0x89: {  	[sflag:s16] =	ssyncset.done $0x0  }
0x8a: {  	[sflag:s16] =	ssyncadd.s32 $0xFFFFFE00  }
0x8b: {  	[tilespmem:s18], [sflag:$0x4] =	stream.indirect.gather [hbm4b:s7+s31], $0x20, s31, s31, $0xb8;
	[tilespmem:$0x18E00] =	vst v63  }
0x8c: {  	_ = 	snop  }
0x8d: {  	[tilespmem:s19], [sflag:$0x4] =	stream.indirect.gather [hbm4b:s17+s31], $0x20, s12, s31, $0xb8;
	[tilespmem:$0x18E00] =	vst v63  }
0x8e: {  	_ =	swait.ge [sflag:s20], $0x4000  }
0x8f: {  	[sflag:s20] =	ssyncset.done $0x0  }
0x90: {  	[sflag:s20] =	ssyncadd.s32 $0xFFFFC000  }
0x91: {  	p0 =	por $0x0, $0x0;
	_ =	swait.ge [sflag:s20], $0x4000  }
0x92: {  	s28 =	simm.s32 @!p0 $0x0;
	s1 =	rddreg [dreg:$0xb];
	[sflag:s20] =	ssyncset.done $0x0  }
0x93: {  	s11 =	rddreg [dreg:$0xa];
	[sflag:s20] =	ssyncadd.s32 $0xFFFFC000;
	s1 =	sadd.s32 @!p0 $0x0, s1  }
0x94: {  	[tilespmem:s28], [sflag:$0x1] =	stream.linear.gather @!p0 [hbm4b:s1+s28], $0x200, $0x38;
	[tilespmem:$0x18E00] =	vst v63  }
0x95: {  	s11 =	sadd.s32 @!p0 $0x0, s11;
	s1 =	simm.s32 @!p0 $0x400  }
0x96: {  	[tilespmem:s1], [sflag:$0x1] =	stream.linear.gather @!p0 [hbm4b:s11+s28], $0x200, $0x38;
	[tilespmem:$0x18E00] =	vst v63  }
0x97: {  	s1 =	sadd.s32 @!p0 $0x0, s15  }
0x98: {  	s11 =	simm.s32 @!p0 $0x10800;
	s1 =	sadd.s32 @!p0 $0x80, s1  }
0x99: {  	[tilespmem:s11], [sflag:$0x1] =	stream.linear.gather @!p0 [hbm4b:s1+s28], $0x200, $0x38;
	[tilespmem:$0x18E00] =	vst v63  }
0x9a: {  	_ =	swait.ge [sflag:s21], $0x4000  }
0x9b: {  	[sflag:s21] =	ssyncset.done $0x0  }
0x9c: {  	[sflag:s21] =	ssyncadd.s32 $0xFFFFC000  }
0x9d: {  	_ =	swait.ge [sflag:s21], $0x4000  }
0x9e: {  	[sflag:s21] =	ssyncset.done $0x0  }
0x9f: {  	s28 =	simm.s32 $0x80;
	[sflag:s21] =	ssyncadd.s32 $0xFFFFC000  }
0xa0: {  	[spmem:s2] =	stream.indirect.scatter.add.f32 [tilespmem:s18], [sflag:$0x6], $0x20, s13, s31, $0xb8;
	[tilespmem:$0x18E00] =	vst v63  }
.LBB2_2:
0xa1: {  	[spmem:s3] =	stream.indirect.scatter.add.f32 [tilespmem:s19], [sflag:$0x6], $0x20, s13, s31, $0xb8;
	[tilespmem:$0x18E00] =	vst v63  }
0xa2: {  	_ =	swait.ge [sflag:s8], $0x200  }
0xa3: {  	[sflag:s8] =	ssyncset.done $0x0  }
0xa4: {  	[sflag:s8] =	ssyncadd.s32 $0xFFFFFE00  }
0xa5: {  	_ =	swait.ge [sflag:s8], $0x200  }
0xa6: {  	[sflag:s8] =	ssyncset.done $0x0  }
0xa7: {  	[sflag:s8] =	ssyncadd.s32 $0xFFFFFE00  }
0xa8: {  	_ =	swait.ge [sflag:s8], $0x200  }
0xa9: {  	s1 =	smov.u32 s28;
	[sflag:s8] =	ssyncset.done $0x0  }
0xaa: {  	p1 =	seq.s32 s1, $0x0;
	[sflag:s8] =	ssyncadd.s32 $0xFFFFFE00  }
0xab: {  	[tilespmem:s9], [sflag:$0x3] =	stream.indirect.gather [hbm4b:s7+s31], $0x20, s5, s31, $0xb8;
	[tilespmem:$0x18E00] =	vst v63  }
0xac: {  	s11 =	simm.s32 @!p1 $0x6  }
0xad: {  	[tilespmem:s10], [sflag:$0x3] =	stream.indirect.gather [hbm4b:s17+s31], $0x20, s4, s31, $0xb8;
	[tilespmem:$0x18E00] =	vst v63  }
0xae: {  	_ =	swait.ge @!p1 [sflag:s11], $0x4000  }
0xaf: {  	[sflag:s11] =	ssyncset.done @!p1 $0x0  }
0xb0: {  	[sflag:s11] =	ssyncadd.s32 @!p1 $0xFFFFC000  }
0xb1: {  	_ =	swait.ge @!p1 [sflag:s11], $0x4000  }
0xb2: {  	s29 =	rddreg [dreg:$0x9];
	[sflag:s11] =	ssyncset.done @!p1 $0x0  }
0xb3: {  	s0 =	rddreg [dreg:$0x8];
	[sflag:s11] =	ssyncadd.s32 @!p1 $0xFFFFC000;
	s29 =	sadd.s32 s1, s29  }
0xb4: {  	[tilespmem:s31], [sflag:$0x2] =	stream.linear.gather [hbm4b:s29+s5], $0x200, $0x38;
	[tilespmem:$0x18E00] =	vst v63  }
0xb5: {  	s25 =	sadd.s32 s1, s15;
	s0 =	sadd.s32 s1, s0  }
0xb6: {  	[tilespmem:s12], [sflag:$0x2] =	stream.linear.gather [hbm4b:s0+s5], $0x200, $0x38;
	[tilespmem:$0x18E00] =	vst v63  }
0xb7: {  	s29 =	sadd.s32 $0x40, s25  }
0xb8: {  	[tilespmem:s13], [sflag:$0x2] =	stream.linear.gather [hbm4b:s29+s5], $0x200, $0x38;
	[tilespmem:$0x18E00] =	vst v63  }
0xb9: {  	_ =	swait.ge [sflag:s14], $0x4000  }
0xba: {  	[sflag:s14] =	ssyncset.done $0x0  }
0xbb: {  	[sflag:s14] =	ssyncadd.s32 $0xFFFFC000  }
0xbc: {  	_ =	swait.ge [sflag:s14], $0x4000  }
0xbd: {  	[sflag:s14] =	ssyncset.done $0x0  }
0xbe: {  	[sflag:s14] =	ssyncadd.s32 $0xFFFFC000  }
0xbf: {  	[spmem:s2] =	stream.indirect.scatter.add.f32 [tilespmem:s9], [sflag:$0x5], $0x20, s6, s31, $0xb8;
	[tilespmem:$0x18E00] =	vst v63  }
0xc0: {  	_ = 	snop  }
0xc1: {  	[spmem:s3] =	stream.indirect.scatter.add.f32 [tilespmem:s10], [sflag:$0x5], $0x20, s6, s31, $0xb8;
	[tilespmem:$0x18E00] =	vst v63  }
0xc2: {  	_ =	swait.ge [sflag:s16], $0x200  }
0xc3: {  	[sflag:s16] =	ssyncset.done $0x0  }
0xc4: {  	[sflag:s16] =	ssyncadd.s32 $0xFFFFFE00  }
0xc5: {  	_ =	swait.ge [sflag:s16], $0x200  }
0xc6: {  	[sflag:s16] =	ssyncset.done $0x0  }
0xc7: {  	[sflag:s16] =	ssyncadd.s32 $0xFFFFFE00  }
0xc8: {  	_ =	swait.ge [sflag:s16], $0x200  }
0xc9: {  	[sflag:s16] =	ssyncset.done $0x0  }
0xca: {  	[sflag:s16] =	ssyncadd.s32 $0xFFFFFE00  }
0xcb: {  	[tilespmem:s18], [sflag:$0x4] =	stream.indirect.gather [hbm4b:s7+s31], $0x20, s31, s31, $0xb8;
	[tilespmem:$0x18E00] =	vst v63  }
0xcc: {  	_ = 	snop  }
0xcd: {  	[tilespmem:s19], [sflag:$0x4] =	stream.indirect.gather [hbm4b:s17+s31], $0x20, s12, s31, $0xb8;
	[tilespmem:$0x18E00] =	vst v63  }
0xce: {  	_ =	swait.ge [sflag:s20], $0x4000  }
0xcf: {  	[sflag:s20] =	ssyncset.done $0x0  }
0xd0: {  	[sflag:s20] =	ssyncadd.s32 $0xFFFFC000  }
0xd1: {  	p1 =	seq.s32 s1, $0x1880;
	_ =	swait.ge [sflag:s20], $0x4000  }
0xd2: {  	s29 =	simm.s32 @!p1 $0x0;
	s0 =	rddreg [dreg:$0xb];
	[sflag:s20] =	ssyncset.done $0x0  }
0xd3: {  	s11 =	rddreg [dreg:$0xa];
	[sflag:s20] =	ssyncadd.s32 $0xFFFFC000;
	s0 =	sadd.s32 @!p1 s1, s0  }
0xd4: {  	[tilespmem:s29], [sflag:$0x1] =	stream.linear.gather @!p1 [hbm4b:s0+s29], $0x200, $0x38;
	[tilespmem:$0x18E00] =	vst v63  }
0xd5: {  	s25 =	simm.s32 @!p1 $0x400;
	s0 =	sadd.s32 @!p1 s1, s11;
	s1 =	sadd.s32 @!p1 s1, s15  }
0xd6: {  	[tilespmem:s25], [sflag:$0x1] =	stream.linear.gather @!p1 [hbm4b:s0+s29], $0x200, $0x38;
	[tilespmem:$0x18E00] =	vst v63  }
0xd7: {  	s11 =	simm.s32 @!p1 $0x10800;
	s0 =	sadd.s32 @!p1 $0x80, s1  }
0xd8: {  	[tilespmem:s11], [sflag:$0x1] =	stream.linear.gather @!p1 [hbm4b:s0+s29], $0x200, $0x38;
	[tilespmem:$0x18E00] =	vst v63  }
0xd9: {  	s28 =	sadd.s32 $0x80, s28;
	_ =	swait.ge [sflag:s21], $0x4000  }
0xda: {  	p0 =	sne.s32 s28, $0x1900;
	[sflag:s21] =	ssyncset.done $0x0  }
.Ltmp0:
0xdb: {  	[sflag:s21] =	ssyncadd.s32 $0xFFFFC000;
	(pc) =	sbr.rel @p0 .LBB2_2-.Ltmp0, $4  }
0xdc: {  	_ =	swait.ge [sflag:s21], $0x4000  }
0xdd: {  	[sflag:s21] =	ssyncset.done $0x0  }
0xde: {  	[sflag:s21] =	ssyncadd.s32 $0xFFFFC000  }
0xdf: {  	[spmem:s2] =	stream.indirect.scatter.add.f32 [tilespmem:s18], [sflag:$0x6], $0x20, s13, s31, $0xb8;
	[tilespmem:$0x18E00] =	vst v63  }
0xe0: {  	[spmem:s3] =	stream.indirect.scatter.add.f32 [tilespmem:s19], [sflag:$0x6], $0x20, s13, s31, $0xb8;
	[tilespmem:$0x18E00] =	vst v63  }
0xe1: {  	_ =	swait.ge [sflag:s22], $0x4000  }
0xe2: {  	[sflag:s22] =	ssyncset.done $0x0  }
0xe3: {  	[sflag:s22] =	ssyncadd.s32 $0xFFFFC000  }
0xe4: {  	_ =	swait.ge [sflag:s22], $0x4000  }
0xe5: {  	s1 =	sld [smem:$0x7FA]  }
0xe6: {  	[sflag:s22] =	ssyncset.done $0x0  }
0xe7: {  	s0 =	rddreg [dreg:$0x15];
	[sflag:s22] =	ssyncadd.s32 $0xFFFFC000  }
0xe8: {  	[hbm:s0], [sflag:s24] =	dma.local [spmem:s1], $0x400  }
0xe9: {  	_ =	swait.ge [sflag:s30], $0x400  }
0xea: {  	[sflag:s30] =	ssyncset.done $0x0  }
0xeb: {  	s11 =	rddreg [dreg:$0x18];
	[sflag:s30] =	ssyncadd.s32 $0xFFFFFC00  }
0xec: {  	[hbm:s11], [sflag:s24] =	dma.local [spmem:s26], $0x400  }
0xed: {  	_ =	swait.ge [sflag:s30], $0x400  }
0xee: {  	[sflag:s30] =	ssyncset.done $0x0  }
0xef: {  	[sflag:s30] =	ssyncadd.s32 $0xFFFFFC00  }
0xf0: {  	s25 =	rddreg [dreg:$0x4]  }
0xf1: {  	[spmem:s1], [sflag:s24] =	dma.local [hbm:s25], $0x400  }
0xf2: {  	_ =	swait.ge [sflag:s30], $0x400  }
0xf3: {  	[sflag:s30] =	ssyncset.done $0x0  }
0xf4: {  	[sflag:s30] =	ssyncadd.s32 $0xFFFFFC00  }
0xf5: {  	[spmem:s26], [sflag:s24] =	dma.local [hbm:s25], $0x400  }
0xf6: {  	_ =	swait.ge [sflag:s30], $0x400  }
0xf7: {  	[sflag:s30] =	ssyncset.done $0x0  }
0xf8: {  	s0 =	simm.s32 $0x0;
	s29 =	rddreg [dreg:$0x1c];
	[sflag:s30] =	ssyncadd.s32 $0xFFFFFC00  }
0xf9: {  	[tilespmem:s0], [sflag:$0x1] =	stream.linear.gather [hbm4b:s29+s0], $0x200, $0x38;
	[tilespmem:$0x18E00] =	vst v63  }
0xfa: {  	s11 =	rddreg [dreg:$0x1b]  }
0xfb: {  	[tilespmem:s4], [sflag:$0x1] =	stream.linear.gather [hbm4b:s11+s0], $0x200, $0x38;
	[tilespmem:$0x18E00] =	vst v63  }
0xfc: {  	s25 =	rddreg [dreg:$0x14]  }
0xfd: {  	[tilespmem:s6], [sflag:$0x1] =	stream.linear.gather [hbm4b:s25+s0], $0x200, $0x38;
	[tilespmem:$0x18E00] =	vst v63  }
0xfe: {  	_ =	swait.ge [sflag:s8], $0x200  }
0xff: {  	[sflag:s8] =	ssyncset.done $0x0  }
0x100: {  	[sflag:s8] =	ssyncadd.s32 $0xFFFFFE00  }
0x101: {  	_ =	swait.ge [sflag:s8], $0x200  }
0x102: {  	[sflag:s8] =	ssyncset.done $0x0  }
0x103: {  	[sflag:s8] =	ssyncadd.s32 $0xFFFFFE00  }
0x104: {  	_ =	swait.ge [sflag:s8], $0x200  }
0x105: {  	[sflag:s8] =	ssyncset.done $0x0  }
0x106: {  	p0 =	por $0x1, $0x1;
	[sflag:s8] =	ssyncadd.s32 $0xFFFFFE00  }
0x107: {  	[tilespmem:s9], [sflag:$0x3] =	stream.indirect.gather [hbm4b:s7+s31], $0x20, s5, s31, $0xb8;
	[tilespmem:$0x18E00] =	vst v63  }
0x108: {  	s0 =	simm.s32 @!p0 $0x6  }
0x109: {  	[tilespmem:s10], [sflag:$0x3] =	stream.indirect.gather [hbm4b:s17+s31], $0x20, s4, s31, $0xb8;
	[tilespmem:$0x18E00] =	vst v63  }
0x10a: {  	_ =	swait.ge @!p0 [sflag:s0], $0x4000  }
0x10b: {  	[sflag:s0] =	ssyncset.done @!p0 $0x0  }
0x10c: {  	[sflag:s0] =	ssyncadd.s32 @!p0 $0xFFFFC000  }
0x10d: {  	_ =	swait.ge @!p0 [sflag:s0], $0x4000  }
0x10e: {  	s29 =	rddreg [dreg:$0xd];
	[sflag:s0] =	ssyncset.done @!p0 $0x0  }
0x10f: {  	s11 =	rddreg [dreg:$0xc];
	[sflag:s0] =	ssyncadd.s32 @!p0 $0xFFFFC000;
	s1 =	sadd.s32 $0x0, s29  }
0x110: {  	[tilespmem:s31], [sflag:$0x2] =	stream.linear.gather [hbm4b:s1+s5], $0x200, $0x38;
	[tilespmem:$0x18E00] =	vst v63  }
0x111: {  	s25 =	sadd.s32 $0x0, s15;
	s11 =	sadd.s32 $0x0, s11  }
0x112: {  	[tilespmem:s12], [sflag:$0x2] =	stream.linear.gather [hbm4b:s11+s5], $0x200, $0x38;
	[tilespmem:$0x18E00] =	vst v63  }
0x113: {  	s29 =	sadd.s32 $0x40, s25  }
0x114: {  	[tilespmem:s13], [sflag:$0x2] =	stream.linear.gather [hbm4b:s29+s5], $0x200, $0x38;
	[tilespmem:$0x18E00] =	vst v63  }
0x115: {  	_ =	swait.ge [sflag:s14], $0x4000  }
0x116: {  	[sflag:s14] =	ssyncset.done $0x0  }
0x117: {  	[sflag:s14] =	ssyncadd.s32 $0xFFFFC000  }
0x118: {  	_ =	swait.ge [sflag:s14], $0x4000  }
0x119: {  	[sflag:s14] =	ssyncset.done $0x0  }
0x11a: {  	[sflag:s14] =	ssyncadd.s32 $0xFFFFC000  }
0x11b: {  	[spmem:s2] =	stream.indirect.scatter.add.f32 [tilespmem:s9], [sflag:$0x5], $0x20, s6, s31, $0xb8;
	[tilespmem:$0x18E00] =	vst v63  }
0x11c: {  	_ = 	snop  }
0x11d: {  	[spmem:s3] =	stream.indirect.scatter.add.f32 [tilespmem:s10], [sflag:$0x5], $0x20, s6, s31, $0xb8;
	[tilespmem:$0x18E00] =	vst v63  }
0x11e: {  	_ =	swait.ge [sflag:s16], $0x200  }
0x11f: {  	[sflag:s16] =	ssyncset.done $0x0  }
0x120: {  	[sflag:s16] =	ssyncadd.s32 $0xFFFFFE00  }
0x121: {  	_ =	swait.ge [sflag:s16], $0x200  }
0x122: {  	[sflag:s16] =	ssyncset.done $0x0  }
0x123: {  	[sflag:s16] =	ssyncadd.s32 $0xFFFFFE00  }
0x124: {  	_ =	swait.ge [sflag:s16], $0x200  }
0x125: {  	[sflag:s16] =	ssyncset.done $0x0  }
0x126: {  	[sflag:s16] =	ssyncadd.s32 $0xFFFFFE00  }
0x127: {  	[tilespmem:s18], [sflag:$0x4] =	stream.indirect.gather [hbm4b:s7+s31], $0x20, s31, s31, $0xb8;
	[tilespmem:$0x18E00] =	vst v63  }
0x128: {  	_ = 	snop  }
0x129: {  	[tilespmem:s19], [sflag:$0x4] =	stream.indirect.gather [hbm4b:s17+s31], $0x20, s12, s31, $0xb8;
	[tilespmem:$0x18E00] =	vst v63  }
0x12a: {  	_ =	swait.ge [sflag:s20], $0x4000  }
0x12b: {  	[sflag:s20] =	ssyncset.done $0x0  }
0x12c: {  	[sflag:s20] =	ssyncadd.s32 $0xFFFFC000  }
0x12d: {  	p0 =	por $0x0, $0x0;
	_ =	swait.ge [sflag:s20], $0x4000  }
0x12e: {  	s11 =	simm.s32 @!p0 $0x0;
	s0 =	rddreg [dreg:$0xf];
	[sflag:s20] =	ssyncset.done $0x0  }
0x12f: {  	s1 =	rddreg [dreg:$0xe];
	[sflag:s20] =	ssyncadd.s32 $0xFFFFC000;
	s0 =	sadd.s32 @!p0 $0x0, s0  }
0x130: {  	[tilespmem:s11], [sflag:$0x1] =	stream.linear.gather @!p0 [hbm4b:s0+s11], $0x200, $0x38;
	[tilespmem:$0x18E00] =	vst v63  }
0x131: {  	s1 =	sadd.s32 @!p0 $0x0, s1;
	s0 =	simm.s32 @!p0 $0x400  }
0x132: {  	[tilespmem:s0], [sflag:$0x1] =	stream.linear.gather @!p0 [hbm4b:s1+s11], $0x200, $0x38;
	[tilespmem:$0x18E00] =	vst v63  }
0x133: {  	s0 =	sadd.s32 @!p0 $0x0, s15  }
0x134: {  	s1 =	simm.s32 @!p0 $0x10800;
	s0 =	sadd.s32 @!p0 $0x80, s0  }
0x135: {  	[tilespmem:s1], [sflag:$0x1] =	stream.linear.gather @!p0 [hbm4b:s0+s11], $0x200, $0x38;
	[tilespmem:$0x18E00] =	vst v63  }
0x136: {  	_ =	swait.ge [sflag:s21], $0x4000  }
0x137: {  	[sflag:s21] =	ssyncset.done $0x0  }
0x138: {  	[sflag:s21] =	ssyncadd.s32 $0xFFFFC000  }
0x139: {  	_ =	swait.ge [sflag:s21], $0x4000  }
0x13a: {  	[sflag:s21] =	ssyncset.done $0x0  }
0x13b: {  	s28 =	simm.s32 $0x80;
	[sflag:s21] =	ssyncadd.s32 $0xFFFFC000  }
0x13c: {  	[spmem:s2] =	stream.indirect.scatter.add.f32 [tilespmem:s18], [sflag:$0x6], $0x20, s13, s31, $0xb8;
	[tilespmem:$0x18E00] =	vst v63  }
.LBB2_4:
0x13d: {  	[spmem:s3] =	stream.indirect.scatter.add.f32 [tilespmem:s19], [sflag:$0x6], $0x20, s13, s31, $0xb8;
	[tilespmem:$0x18E00] =	vst v63  }
0x13e: {  	_ =	swait.ge [sflag:s8], $0x200  }
0x13f: {  	[sflag:s8] =	ssyncset.done $0x0  }
0x140: {  	[sflag:s8] =	ssyncadd.s32 $0xFFFFFE00  }
0x141: {  	_ =	swait.ge [sflag:s8], $0x200  }
0x142: {  	[sflag:s8] =	ssyncset.done $0x0  }
0x143: {  	[sflag:s8] =	ssyncadd.s32 $0xFFFFFE00  }
0x144: {  	_ =	swait.ge [sflag:s8], $0x200  }
0x145: {  	s1 =	smov.u32 s28;
	[sflag:s8] =	ssyncset.done $0x0  }
0x146: {  	p1 =	seq.s32 s1, $0x0;
	[sflag:s8] =	ssyncadd.s32 $0xFFFFFE00  }
0x147: {  	[tilespmem:s9], [sflag:$0x3] =	stream.indirect.gather [hbm4b:s7+s31], $0x20, s5, s31, $0xb8;
	[tilespmem:$0x18E00] =	vst v63  }
0x148: {  	s0 =	simm.s32 @!p1 $0x6  }
0x149: {  	[tilespmem:s10], [sflag:$0x3] =	stream.indirect.gather [hbm4b:s17+s31], $0x20, s4, s31, $0xb8;
	[tilespmem:$0x18E00] =	vst v63  }
0x14a: {  	_ =	swait.ge @!p1 [sflag:s0], $0x4000  }
0x14b: {  	[sflag:s0] =	ssyncset.done @!p1 $0x0  }
0x14c: {  	[sflag:s0] =	ssyncadd.s32 @!p1 $0xFFFFC000  }
0x14d: {  	_ =	swait.ge @!p1 [sflag:s0], $0x4000  }
0x14e: {  	s11 =	rddreg [dreg:$0xd];
	[sflag:s0] =	ssyncset.done @!p1 $0x0  }
0x14f: {  	s25 =	rddreg [dreg:$0xc];
	[sflag:s0] =	ssyncadd.s32 @!p1 $0xFFFFC000;
	s29 =	sadd.s32 s1, s11  }
0x150: {  	[tilespmem:s31], [sflag:$0x2] =	stream.linear.gather [hbm4b:s29+s5], $0x200, $0x38;
	[tilespmem:$0x18E00] =	vst v63  }
0x151: {  	s11 =	sadd.s32 s1, s25;
	s25 =	sadd.s32 s1, s15  }
0x152: {  	[tilespmem:s12], [sflag:$0x2] =	stream.linear.gather [hbm4b:s11+s5], $0x200, $0x38;
	[tilespmem:$0x18E00] =	vst v63  }
0x153: {  	s29 =	sadd.s32 $0x40, s25  }
0x154: {  	[tilespmem:s13], [sflag:$0x2] =	stream.linear.gather [hbm4b:s29+s5], $0x200, $0x38;
	[tilespmem:$0x18E00] =	vst v63  }
0x155: {  	_ =	swait.ge [sflag:s14], $0x4000  }
0x156: {  	[sflag:s14] =	ssyncset.done $0x0  }
0x157: {  	[sflag:s14] =	ssyncadd.s32 $0xFFFFC000  }
0x158: {  	_ =	swait.ge [sflag:s14], $0x4000  }
0x159: {  	[sflag:s14] =	ssyncset.done $0x0  }
0x15a: {  	[sflag:s14] =	ssyncadd.s32 $0xFFFFC000  }
0x15b: {  	[spmem:s2] =	stream.indirect.scatter.add.f32 [tilespmem:s9], [sflag:$0x5], $0x20, s6, s31, $0xb8;
	[tilespmem:$0x18E00] =	vst v63  }
0x15c: {  	_ = 	snop  }
0x15d: {  	[spmem:s3] =	stream.indirect.scatter.add.f32 [tilespmem:s10], [sflag:$0x5], $0x20, s6, s31, $0xb8;
	[tilespmem:$0x18E00] =	vst v63  }
0x15e: {  	_ =	swait.ge [sflag:s16], $0x200  }
0x15f: {  	[sflag:s16] =	ssyncset.done $0x0  }
0x160: {  	[sflag:s16] =	ssyncadd.s32 $0xFFFFFE00  }
0x161: {  	_ =	swait.ge [sflag:s16], $0x200  }
0x162: {  	[sflag:s16] =	ssyncset.done $0x0  }
0x163: {  	[sflag:s16] =	ssyncadd.s32 $0xFFFFFE00  }
0x164: {  	_ =	swait.ge [sflag:s16], $0x200  }
0x165: {  	[sflag:s16] =	ssyncset.done $0x0  }
0x166: {  	[sflag:s16] =	ssyncadd.s32 $0xFFFFFE00  }
0x167: {  	[tilespmem:s18], [sflag:$0x4] =	stream.indirect.gather [hbm4b:s7+s31], $0x20, s31, s31, $0xb8;
	[tilespmem:$0x18E00] =	vst v63  }
0x168: {  	_ = 	snop  }
0x169: {  	[tilespmem:s19], [sflag:$0x4] =	stream.indirect.gather [hbm4b:s17+s31], $0x20, s12, s31, $0xb8;
	[tilespmem:$0x18E00] =	vst v63  }
0x16a: {  	_ =	swait.ge [sflag:s20], $0x4000  }
0x16b: {  	[sflag:s20] =	ssyncset.done $0x0  }
0x16c: {  	[sflag:s20] =	ssyncadd.s32 $0xFFFFC000  }
0x16d: {  	p1 =	seq.s32 s1, $0x1880;
	_ =	swait.ge [sflag:s20], $0x4000  }
0x16e: {  	s25 =	simm.s32 @!p1 $0x0;
	s0 =	rddreg [dreg:$0xf];
	[sflag:s20] =	ssyncset.done $0x0  }
0x16f: {  	s11 =	rddreg [dreg:$0xe];
	[sflag:s20] =	ssyncadd.s32 $0xFFFFC000;
	s0 =	sadd.s32 @!p1 s1, s0  }
0x170: {  	[tilespmem:s25], [sflag:$0x1] =	stream.linear.gather @!p1 [hbm4b:s0+s25], $0x200, $0x38;
	[tilespmem:$0x18E00] =	vst v63  }
0x171: {  	s29 =	simm.s32 @!p1 $0x400;
	s0 =	sadd.s32 @!p1 s1, s11;
	s1 =	sadd.s32 @!p1 s1, s15  }
0x172: {  	[tilespmem:s29], [sflag:$0x1] =	stream.linear.gather @!p1 [hbm4b:s0+s25], $0x200, $0x38;
	[tilespmem:$0x18E00] =	vst v63  }
0x173: {  	s11 =	simm.s32 @!p1 $0x10800;
	s0 =	sadd.s32 @!p1 $0x80, s1  }
0x174: {  	[tilespmem:s11], [sflag:$0x1] =	stream.linear.gather @!p1 [hbm4b:s0+s25], $0x200, $0x38;
	[tilespmem:$0x18E00] =	vst v63  }
0x175: {  	s28 =	sadd.s32 $0x80, s28;
	_ =	swait.ge [sflag:s21], $0x4000  }
0x176: {  	p0 =	sne.s32 s28, $0x1900;
	[sflag:s21] =	ssyncset.done $0x0  }
.Ltmp1:
0x177: {  	[sflag:s21] =	ssyncadd.s32 $0xFFFFC000;
	(pc) =	sbr.rel @p0 .LBB2_4-.Ltmp1, $4  }
0x178: {  	_ =	swait.ge [sflag:s21], $0x4000  }
0x179: {  	[sflag:s21] =	ssyncset.done $0x0  }
0x17a: {  	[sflag:s21] =	ssyncadd.s32 $0xFFFFC000  }
0x17b: {  	[spmem:s2] =	stream.indirect.scatter.add.f32 [tilespmem:s18], [sflag:$0x6], $0x20, s13, s31, $0xb8;
	[tilespmem:$0x18E00] =	vst v63  }
0x17c: {  	[spmem:s3] =	stream.indirect.scatter.add.f32 [tilespmem:s19], [sflag:$0x6], $0x20, s13, s31, $0xb8;
	[tilespmem:$0x18E00] =	vst v63  }
0x17d: {  	_ =	swait.ge [sflag:s22], $0x4000  }
0x17e: {  	[sflag:s22] =	ssyncset.done $0x0  }
0x17f: {  	[sflag:s22] =	ssyncadd.s32 $0xFFFFC000  }
0x180: {  	_ =	swait.ge [sflag:s22], $0x4000  }
0x181: {  	s1 =	sld [smem:$0x7FA]  }
0x182: {  	[sflag:s22] =	ssyncset.done $0x0  }
0x183: {  	s0 =	rddreg [dreg:$0x16];
	[sflag:s22] =	ssyncadd.s32 $0xFFFFC000  }
0x184: {  	[hbm:s0], [sflag:s24] =	dma.local [spmem:s1], $0x400  }
0x185: {  	_ =	swait.ge [sflag:s30], $0x400  }
0x186: {  	[sflag:s30] =	ssyncset.done $0x0  }
0x187: {  	s28 =	rddreg [dreg:$0x17];
	[sflag:s30] =	ssyncadd.s32 $0xFFFFFC00  }
0x188: {  	[hbm:s28], [sflag:s24] =	dma.local [spmem:s26], $0x400  }
0x189: {  	_ =	swait.ge [sflag:s30], $0x400  }
0x18a: {  	s29 =	sld [smem:$0x7FD];
	_ =	sdelay $0x1  }
0x18b: {  	s23 =	sadd.s32 $0x1, s23  }
0x18c: {  	p0 =	sne.s32 s23, s29  }
.Ltmp2:
0x18d: {  	_ = 	snop;
	(pc) =	sbr.rel @p0 .LBB2_1-.Ltmp2, $3  }
0x18e: {  	_ =	sdelay $0x1  }
0x18f: {  	[sflag:s30] =	ssyncset.done $0x0  }
0x190: {  	[sflag:s30] =	ssyncadd.s32 $0xFFFFFC00  }
0x191: {  	_ =	sfence.sel $0x180000  }
0x192: {  	[bflag:$0x0] =	sbarrier.arrive $0xFFFF  }
0x193: {  	_ =	strace $0x90000047  }
0x194: {  	s0 =	stileid.u32;
	[bflag:$0x2] =	sbarrier.arrive $0xFFFF  }
0x195: {  	p0 =	sne.s32 s0, $0x0;
	s0 =	rddreg [dreg:$0x7]  }
0x196: {  	s0 =	sadd.s32 @!p0 $0x100000, s0  }
0x197: {  	[sflag:s0] =	ssyncadd.tile.s32 @!p0 $0x1;
	_ =	shalt  }
.Lfunc_end2:
_tile_overlayer_lowered:
.L_overlay_start_2:
0x198: {  	(tag) =	ssettag $0x2  }
0x199: {  	s0 =	rddreg [dreg:$0x0];
	s2 =	stileid.u32  }
0x19a: {  	s1 =	rddreg [dreg:$0x1];
	p0 =	sne.s32 s2, $0x0  }
0x19b: {  	s3 =	rddreg [dreg:$0x2];
	[bflag:$0x3] =	sbarrier.arrive $0xFFFF;
	s2 =	simm.s32 @!p0 $0x1C07  }
0x19c: {  	[timem:s3], [sflag:s2] =	dma.local @!p0 [hbm:s0], s1  }
0x19d: {  	s0 =	simm.s32 @!p0 $0x7  }
0x19e: {  	_ =	swait.ge @!p0 [sflag:s0], s1  }
0x19f: {  	s1 =	ssub.s32 @!p0 $0x0, s1;
	[sflag:s0] =	ssyncset.done @!p0 $0x0  }
0x1a0: {  	[sflag:s0] =	ssyncadd.s32 @!p0 s1  }
0x1a1: {  	[bflag:$0x3] =	sbarrier.arrive $0xFFFF  }
0x1a2: {  	_ =	shalt  }

</sc_bundles>
